<compile_context>
chip_gen: v7x
topology: tpu7x:2x2x1
jax: 0.10.2.dev20260603
libtpu: 0.0.44.dev20260713+nightly
codegen_flags: <defaults>
</compile_context>

<pallas_src>
import functools

import jax
import jax.numpy as jnp
from jax import lax
from jax.experimental import pallas as pl
from jax.experimental.pallas import tpu as pltpu
from jax.experimental.pallas import tpu_sc as plsc

M = 500000
STRIDE = 1024
NC, NS = 2, 16
NT = NC * NS
ROWS_PT = 32
GSZ = ROWS_PT * STRIDE
CHUNK = 10000
NCHUNK = M // CHUNK
VPC = CHUNK // 16
UNROLL = 25
MC = 8192


def _conv_body(x_ref, ti_ref, w1_ref, b1_ref, w2_ref, b2_ref,
               w3_ref, b3_ref, w4_ref, b4_ref, vals_ref, cell_ref):
    x = x_ref[...]
    h = jnp.maximum(jnp.dot(w1_ref[...], x, preferred_element_type=jnp.float32)
                    + b1_ref[...], 0.0)
    h = jnp.maximum(jnp.dot(w2_ref[...], h, preferred_element_type=jnp.float32)
                    + b2_ref[...], 0.0)
    h = jnp.maximum(jnp.dot(w3_ref[...], h, preferred_element_type=jnp.float32)
                    + b3_ref[...], 0.0)
    out = jnp.dot(w4_ref[...], h, preferred_element_type=jnp.float32) + b4_ref[...]
    vals_ref[...] = out[0]
    ti = ti_ref[...]
    cell = (ti[0] * STRIDE + ti[1]).reshape(MC // 128, 128)
    lanepos = lax.broadcasted_iota(jnp.int32, (MC // 128, 128), 1) & 15
    dup = jnp.zeros(cell.shape, jnp.bool_)
    for s in range(1, 16):
        sh = pltpu.roll(cell, 128 - s, 1)
        dup = dup | ((cell == sh) & (lanepos < 16 - s))
    cell_ref[...] = jnp.where(dup, -1, cell).reshape(MC)


def _tc_conv(x, ti, w1, b1, w2, b2, w3, b3, w4, b4):
    nblk = pl.cdiv(M, MC)
    full = lambda i: (0, 0)
    return pl.pallas_call(
        _conv_body,
        grid=(nblk,),
        in_specs=[
            pl.BlockSpec((7, MC), lambda i: (0, i)),
            pl.BlockSpec((2, MC), lambda i: (0, i)),
            pl.BlockSpec((18, 7), full), pl.BlockSpec((18, 1), full),
            pl.BlockSpec((36, 18), full), pl.BlockSpec((36, 1), full),
            pl.BlockSpec((36, 36), full), pl.BlockSpec((36, 1), full),
            pl.BlockSpec((1, 36), full), pl.BlockSpec((1, 1), full),
        ],
        out_specs=[
            pl.BlockSpec((MC,), lambda i: (i,)),
            pl.BlockSpec((MC,), lambda i: (i,)),
        ],
        out_shape=[
            jax.ShapeDtypeStruct((M,), jnp.float32),
            jax.ShapeDtypeStruct((M,), jnp.int32),
        ],
    )(x, ti, w1, b1, w2, b2, w3, b3, w4, b4)


def _sc_body(cell_hbm, val_hbm, rowmax_hbm, colmax_hbm,
             tv, cbuf0, vbuf0, cbuf1, vbuf1, cacc, rbuf, cmb, cres,
             shared, sem0, sem1):
    core = lax.axis_index("c")
    sub = lax.axis_index("s")
    wid = core * NS + sub
    base = wid * GSZ
    iota = lax.iota(jnp.int32, 16)
    neg = jnp.full((16,), -9999.0, jnp.float32)

    def init(i, _):
        for u in range(8):
            tv[pl.ds((i * 8 + u) * 16, 16)] = neg
        return 0
    lax.fori_loop(0, GSZ // 128, init, 0)

    bufs = ((cbuf0, vbuf0, sem0), (cbuf1, vbuf1, sem1))

    def start(ch, cb, vb, sem):
        pltpu.async_copy(cell_hbm.at[pl.ds(ch * CHUNK, CHUNK)], cb, sem)
        pltpu.async_copy(val_hbm.at[pl.ds(ch * CHUNK, CHUNK)], vb, sem)

    def wait(cb, vb, sem):
        pltpu.make_async_copy(cell_hbm.at[pl.ds(0, CHUNK)], cb, sem).wait()
        pltpu.make_async_copy(val_hbm.at[pl.ds(0, CHUNK)], vb, sem).wait()

    def process_chunk(ch, cb, vb):
        def fast_body(p, _):
            for u in range(UNROLL):
                g = p * UNROLL + u
                c = cb[pl.ds(g * 16, 16)]
                v = vb[pl.ds(g * 16, 16)]
                idx = c - base
                uidx = jnp.minimum(plsc.bitcast(idx, jnp.uint32),
                                   jnp.uint32(GSZ))
                plsc.store_scatter(tv, [plsc.bitcast(uidx, jnp.int32)], v)
            return 0
        lax.fori_loop(0, VPC // UNROLL, fast_body, 0)

    start(0, *bufs[0])

    def pair_body(p, _):
        for b in range(2):
            ch = p * 2 + b

            @pl.when(ch + 1 < NCHUNK)
            def _():
                start(ch + 1, *bufs[1 - b])
            wait(*bufs[b])
            process_chunk(ch, bufs[b][0], bufs[b][1])
        return 0
    lax.fori_loop(0, NCHUNK // 2, pair_body, 0)
    if NCHUNK % 2:
        ch = NCHUNK - 1
        b = ch % 2
        wait(*bufs[b])
        process_chunk(ch, bufs[b][0], bufs[b][1])

    def initc(j, _):
        for u in range(4):
            cacc[0, pl.ds((j * 4 + u) * 16, 16)] = neg
        return 0
    lax.fori_loop(0, STRIDE // 64, initc, 0)

    def row_body(r, carry):
        rlo, rhi = carry
        def col_body(j, racc):
            for u in range(4):
                o = (j * 4 + u) * 16
                t = tv[pl.ds(r * STRIDE + o, 16)]
                cacc[0, pl.ds(o, 16)] = jnp.maximum(cacc[0, pl.ds(o, 16)], t)
                racc = jnp.maximum(racc, t)
            return racc
        racc = lax.fori_loop(0, STRIDE // 64, col_body, neg)
        s = jnp.max(racc)
        rlo = jnp.where(iota == r, s, rlo)
        rhi = jnp.where(iota == r - 16, s, rhi)
        return rlo, rhi
    rlo, rhi = lax.fori_loop(0, ROWS_PT, row_body, (neg, neg))
    rbuf[pl.ds(0, 16)] = rlo
    rbuf[pl.ds(16, 16)] = rhi
    pltpu.sync_copy(rbuf, rowmax_hbm.at[pl.ds(wid * ROWS_PT, ROWS_PT)])

    pltpu.sync_copy(cacc, shared.at[sub, pl.ds(0, 1)])
    plsc.subcore_barrier()

    @pl.when(sub < 8)
    def _():
        cols = 128
        pltpu.sync_copy(shared.at[:, pl.ds(0, 1), pl.ds(sub * cols, cols)], cmb)

        def comb_body(j, _):
            def ct(t, acc):
                return jnp.maximum(acc, cmb[t, 0, pl.ds(j * 16, 16)])
            acc = lax.fori_loop(1, NS, ct, cmb[0, 0, pl.ds(j * 16, 16)])
            cres[pl.ds(j * 16, 16)] = acc
            return 0
        lax.fori_loop(0, cols // 16, comb_body, 0)
        pltpu.sync_copy(cres, colmax_hbm.at[pl.ds(core * STRIDE + sub * cols, cols)])


@functools.cache
def _sc_scatter_kernel():
    @functools.partial(
        pl.kernel,
        out_type=(jax.ShapeDtypeStruct((NT * ROWS_PT,), jnp.float32),
                  jax.ShapeDtypeStruct((NC * STRIDE,), jnp.float32)),
        mesh=plsc.VectorSubcoreMesh(core_axis_name="c", subcore_axis_name="s",
                                    num_cores=NC, num_subcores=NS),
        compiler_params=pltpu.CompilerParams(needs_layout_passes=False),
        scratch_types=[
            pltpu.VMEM((GSZ + 16,), jnp.float32),
            pltpu.VMEM((CHUNK,), jnp.int32),
            pltpu.VMEM((CHUNK,), jnp.float32),
            pltpu.VMEM((CHUNK,), jnp.int32),
            pltpu.VMEM((CHUNK,), jnp.float32),
            pltpu.VMEM((1, STRIDE), jnp.float32),
            pltpu.VMEM((ROWS_PT,), jnp.float32),
            pltpu.VMEM((NS, 1, 128), jnp.float32),
            pltpu.VMEM((128,), jnp.float32),
            pltpu.VMEM_SHARED((NS, 8, STRIDE), jnp.float32),
            pltpu.SemaphoreType.DMA,
            pltpu.SemaphoreType.DMA,
        ],
    )
    def _sc_scatter(cell_hbm, val_hbm, rowmax_hbm, colmax_hbm, *scratch):
        _sc_body(cell_hbm, val_hbm, rowmax_hbm, colmax_hbm, *scratch)
    return _sc_scatter


def kernel(input_1, T_out, T_indices, w1, b1, w2, b2, w3, b3, w4, b4):
    x = input_1.reshape(7, M)
    ti = T_indices.astype(jnp.int32)
    vals, cell = _tc_conv(x, ti,
                          w1, b1.reshape(18, 1), w2, b2.reshape(36, 1),
                          w3, b3.reshape(36, 1), w4, b4.reshape(1, 1))
    rowmax, colmax = _sc_scatter_kernel()(cell, vals)
    x1 = rowmax[:1000]
    cm = colmax.reshape(NC, STRIDE)
    x2 = jnp.maximum(cm[0], cm[1])[:1000]
    return (x1, x2)

# --- scband reference (transcript-rebuilt; emitter-appended) ---
"""Pipeline reference for scband-fusion-30545807409839 (READ-ONLY COPY).

The authoritative reference and input builder live on the scoring server;
editing this copy changes nothing except your own understanding.
"""

import jax, jax.numpy as jnp
import numpy as np


def conv1x1(x, w, b):
    # x: [B, Cin, H, W], w: [Cout, Cin], b: [Cout]  (equivalent to nn.Conv2d(Cin, Cout, 1))
    return jnp.einsum('bchw,oc->bohw', x, w) + b[None, :, None, None]


def setup_inputs(seed: int = 0) -> dict:
    key = jax.random.key(seed)
    ks = jax.random.split(key, 12)
    M = 500000
    input_1 = jax.random.normal(ks[0], (1, 7, 1, M), dtype=jnp.float32)
    T_out = jnp.zeros((1, 1000, 1000), dtype=jnp.float32)
    T_indices = jax.random.randint(ks[1], (2, M), 0, 1000)
    w1 = jax.random.normal(ks[2], (18, 7), dtype=jnp.float32) * 0.2
    b1 = jax.random.normal(ks[3], (18,), dtype=jnp.float32) * 0.01
    w2 = jax.random.normal(ks[4], (36, 18), dtype=jnp.float32) * 0.15
    b2 = jax.random.normal(ks[5], (36,), dtype=jnp.float32) * 0.01
    w3 = jax.random.normal(ks[6], (36, 36), dtype=jnp.float32) * 0.12
    b3 = jax.random.normal(ks[7], (36,), dtype=jnp.float32) * 0.01
    w4 = jax.random.normal(ks[8], (1, 36), dtype=jnp.float32) * 0.12
    b4 = jax.random.normal(ks[9], (1,), dtype=jnp.float32) * 0.01
    return {"input_1": input_1, "T_out": T_out, "T_indices": T_indices,
            "w1": w1, "b1": b1, "w2": w2, "b2": b2,
            "w3": w3, "b3": b3, "w4": w4, "b4": b4}


def reference(input_1, T_out, T_indices, w1, b1, w2, b2, w3, b3, w4, b4):
    # fuse_2d_3d: stack of 1x1 convs with ReLU
    x = jax.nn.relu(conv1x1(input_1, w1, b1))
    x = jax.nn.relu(conv1x1(x, w2, b2))
    x = jax.nn.relu(conv1x1(x, w3, b3))
    x = conv1x1(x, w4, b4)  # [1, 1, 1, M]
    # T_out[:, :, :] = -9999.0 ; scatter-overwrite fused scores
    T = jnp.full(T_out.shape, -9999.0, dtype=T_out.dtype)
    T = T.at[:, T_indices[0], T_indices[1]].set(x[0, 0, :, :])  # x[0,0] is [1, M]
    # MaxPool2d([1, 1000]) stride 1 on [C=1, H=1000, W=1000] -> reduce over W
    x1 = jnp.max(T, axis=2, keepdims=True)
    # MaxPool2d([1000, 1]) stride 1 -> reduce over H
    x2 = jnp.max(T, axis=1, keepdims=True)
    return (jnp.squeeze(x1), jnp.squeeze(x2))

if __name__ == "__main__":
    import jax
    _d = setup_inputs()
    print(jax.jit(kernel)(*tuple(_d.values())))

</pallas_src>

<mosaic_0001>
#map = affine_map<(d0, d1) -> (0)>
module attributes {stable_mosaic.version = 14 : i64} {
  func.func @_sc_scatter(%arg0: i32, %arg1: i32, %arg2: memref<500000xi32, #tpu.memory_space<hbm>>, %arg3: memref<500000xf32, #tpu.memory_space<hbm>>, %arg4: memref<1024xf32, #tpu.memory_space<hbm>>, %arg5: memref<2048xf32, #tpu.memory_space<hbm>>, %arg6: memref<32784xf32, #tpu.memory_space<vmem>>, %arg7: memref<10000xi32, #tpu.memory_space<vmem>>, %arg8: memref<10000xf32, #tpu.memory_space<vmem>>, %arg9: memref<10000xi32, #tpu.memory_space<vmem>>, %arg10: memref<10000xf32, #tpu.memory_space<vmem>>, %arg11: memref<1x1024xf32, #tpu.memory_space<vmem>>, %arg12: memref<32xf32, #tpu.memory_space<vmem>>, %arg13: memref<16x1x128xf32, #tpu.memory_space<vmem>>, %arg14: memref<128xf32, #tpu.memory_space<vmem>>, %arg15: memref<16x8x1024xf32, #tpu.memory_space<vmem_shared>>, %arg16: memref<!tpu.dma_semaphore, #tpu.memory_space<semaphore_mem>>, %arg17: memref<!tpu.dma_semaphore, #tpu.memory_space<semaphore_mem>>) attributes {dimension_semantics = [#tpu.dimension_semantics<core_parallel>, #tpu.dimension_semantics<subcore_parallel>], iteration_bounds = array<i64: 2, 16>, scalar_prefetch = 0 : i64, scratch_operands = 12 : i64, tpu.core_type = #tpu.core_type<sc_vector_subcore>, window_params = [{transform_indices = #map}, {transform_indices = #map}, {transform_indices = #map}, {transform_indices = #map}]} {
    %mul3A = arith.constant 16 : i32
    %mul3A_0 = arith.muli %arg0, %mul3A : i32
    %add3A = arith.addi %mul3A_0, %arg1 : i32
    %mul3A_1 = arith.constant 32768 : i32
    %mul3A_2 = arith.muli %add3A, %mul3A_1 : i32
    %iota3A = tpu.iota {dimensions = array<i32: 0>} : vector<16xi32>
    %broadcast_in_dim3A = arith.constant -9.999000e+03 : f32
    %broadcast_in_dim3A_3 = vector.broadcast %broadcast_in_dim3A : f32 to vector<16xf32>
    %scan3A = arith.constant 0 : i32
    %scan3A_4 = arith.constant 0 : i32
    %scan3A_5 = arith.constant 256 : i32
    %scan3A_6 = arith.addi %scan3A_4, %scan3A_5 : i32
    %scan3A_7 = arith.constant 1 : i32
    %scan3A_8 = scf.for %scan3A_44 = %scan3A_4 to %scan3A_6 step %scan3A_7 iter_args(%scan3A_45 = %scan3A) -> (i32)  : i32 {
      %mul3A_46 = arith.constant 8 : i32
      %mul3A_47 = arith.muli %scan3A_44, %mul3A_46 : i32
      %add3A_48 = arith.constant 0 : i32
      %add3A_49 = arith.addi %mul3A_47, %add3A_48 : i32
      %mul3A_50 = arith.constant 16 : i32
      %mul3A_51 = arith.muli %add3A_49, %mul3A_50 : i32
      %swap3A_52 = arith.index_cast %mul3A_51 : i32 to index
      %swap3A_53 = tpu.vector_load %arg6[%swap3A_52] {strides = array<i32>} : memref<32784xf32, #tpu.memory_space<vmem>>, vector<16xf32>,
      tpu.vector_store %arg6[%swap3A_52], %broadcast_in_dim3A_3 {strides = array<i32>} : memref<32784xf32, #tpu.memory_space<vmem>>, vector<16xf32>,
      %mul3A_54 = arith.constant 8 : i32
      %mul3A_55 = arith.muli %scan3A_44, %mul3A_54 : i32
      %add3A_56 = arith.constant 1 : i32
      %add3A_57 = arith.addi %mul3A_55, %add3A_56 : i32
      %mul3A_58 = arith.constant 16 : i32
      %mul3A_59 = arith.muli %add3A_57, %mul3A_58 : i32
      %swap3A_60 = arith.index_cast %mul3A_59 : i32 to index
      %swap3A_61 = tpu.vector_load %arg6[%swap3A_60] {strides = array<i32>} : memref<32784xf32, #tpu.memory_space<vmem>>, vector<16xf32>,
      tpu.vector_store %arg6[%swap3A_60], %broadcast_in_dim3A_3 {strides = array<i32>} : memref<32784xf32, #tpu.memory_space<vmem>>, vector<16xf32>,
      %mul3A_62 = arith.constant 8 : i32
      %mul3A_63 = arith.muli %scan3A_44, %mul3A_62 : i32
      %add3A_64 = arith.constant 2 : i32
      %add3A_65 = arith.addi %mul3A_63, %add3A_64 : i32
      %mul3A_66 = arith.constant 16 : i32
      %mul3A_67 = arith.muli %add3A_65, %mul3A_66 : i32
      %swap3A_68 = arith.index_cast %mul3A_67 : i32 to index
      %swap3A_69 = tpu.vector_load %arg6[%swap3A_68] {strides = array<i32>} : memref<32784xf32, #tpu.memory_space<vmem>>, vector<16xf32>,
      tpu.vector_store %arg6[%swap3A_68], %broadcast_in_dim3A_3 {strides = array<i32>} : memref<32784xf32, #tpu.memory_space<vmem>>, vector<16xf32>,
      %mul3A_70 = arith.constant 8 : i32
      %mul3A_71 = arith.muli %scan3A_44, %mul3A_70 : i32
      %add3A_72 = arith.constant 3 : i32
      %add3A_73 = arith.addi %mul3A_71, %add3A_72 : i32
      %mul3A_74 = arith.constant 16 : i32
      %mul3A_75 = arith.muli %add3A_73, %mul3A_74 : i32
      %swap3A_76 = arith.index_cast %mul3A_75 : i32 to index
      %swap3A_77 = tpu.vector_load %arg6[%swap3A_76] {strides = array<i32>} : memref<32784xf32, #tpu.memory_space<vmem>>, vector<16xf32>,
      tpu.vector_store %arg6[%swap3A_76], %broadcast_in_dim3A_3 {strides = array<i32>} : memref<32784xf32, #tpu.memory_space<vmem>>, vector<16xf32>,
      %mul3A_78 = arith.constant 8 : i32
      %mul3A_79 = arith.muli %scan3A_44, %mul3A_78 : i32
      %add3A_80 = arith.constant 4 : i32
      %add3A_81 = arith.addi %mul3A_79, %add3A_80 : i32
      %mul3A_82 = arith.constant 16 : i32
      %mul3A_83 = arith.muli %add3A_81, %mul3A_82 : i32
      %swap3A_84 = arith.index_cast %mul3A_83 : i32 to index
      %swap3A_85 = tpu.vector_load %arg6[%swap3A_84] {strides = array<i32>} : memref<32784xf32, #tpu.memory_space<vmem>>, vector<16xf32>,
      tpu.vector_store %arg6[%swap3A_84], %broadcast_in_dim3A_3 {strides = array<i32>} : memref<32784xf32, #tpu.memory_space<vmem>>, vector<16xf32>,
      %mul3A_86 = arith.constant 8 : i32
      %mul3A_87 = arith.muli %scan3A_44, %mul3A_86 : i32
      %add3A_88 = arith.constant 5 : i32
      %add3A_89 = arith.addi %mul3A_87, %add3A_88 : i32
      %mul3A_90 = arith.constant 16 : i32
      %mul3A_91 = arith.muli %add3A_89, %mul3A_90 : i32
      %swap3A_92 = arith.index_cast %mul3A_91 : i32 to index
      %swap3A_93 = tpu.vector_load %arg6[%swap3A_92] {strides = array<i32>} : memref<32784xf32, #tpu.memory_space<vmem>>, vector<16xf32>,
      tpu.vector_store %arg6[%swap3A_92], %broadcast_in_dim3A_3 {strides = array<i32>} : memref<32784xf32, #tpu.memory_space<vmem>>, vector<16xf32>,
      %mul3A_94 = arith.constant 8 : i32
      %mul3A_95 = arith.muli %scan3A_44, %mul3A_94 : i32
      %add3A_96 = arith.constant 6 : i32
      %add3A_97 = arith.addi %mul3A_95, %add3A_96 : i32
      %mul3A_98 = arith.constant 16 : i32
      %mul3A_99 = arith.muli %add3A_97, %mul3A_98 : i32
      %swap3A_100 = arith.index_cast %mul3A_99 : i32 to index
      %swap3A_101 = tpu.vector_load %arg6[%swap3A_100] {strides = array<i32>} : memref<32784xf32, #tpu.memory_space<vmem>>, vector<16xf32>,
      tpu.vector_store %arg6[%swap3A_100], %broadcast_in_dim3A_3 {strides = array<i32>} : memref<32784xf32, #tpu.memory_space<vmem>>, vector<16xf32>,
      %mul3A_102 = arith.constant 8 : i32
      %mul3A_103 = arith.muli %scan3A_44, %mul3A_102 : i32
      %add3A_104 = arith.constant 7 : i32
      %add3A_105 = arith.addi %mul3A_103, %add3A_104 : i32
      %mul3A_106 = arith.constant 16 : i32
      %mul3A_107 = arith.muli %add3A_105, %mul3A_106 : i32
      %swap3A_108 = arith.index_cast %mul3A_107 : i32 to index
      %swap3A_109 = tpu.vector_load %arg6[%swap3A_108] {strides = array<i32>} : memref<32784xf32, #tpu.memory_space<vmem>>, vector<16xf32>,
      tpu.vector_store %arg6[%swap3A_108], %broadcast_in_dim3A_3 {strides = array<i32>} : memref<32784xf32, #tpu.memory_space<vmem>>, vector<16xf32>,
      %scan3A_110 = arith.constant 0 : i32
      scf.yield %scan3A_110 : i32
    }
    %scan3A_9 = arith.constant 256 : i32
    %dma_start3A = arith.constant 0 : i32
    %dma_start3A_10 = tpu.memref_slice %arg2[%dma_start3A] : memref<500000xi32, #tpu.memory_space<hbm>> -> memref<10000xi32, #tpu.memory_space<hbm>>
    %dma_start3A_11 = arith.constant 0 : i32
    %dma_start3A_12 = tpu.memref_slice %arg2[%dma_start3A_11] : memref<500000xi32, #tpu.memory_space<hbm>> -> memref<10000xi32, #tpu.memory_space<hbm>>
    tpu.enqueue_dma source(%dma_start3A_12 : memref<10000xi32, #tpu.memory_space<hbm>>) target(%arg7 : memref<10000xi32, #tpu.memory_space<vmem>>) target_semaphore(%arg16 : memref<!tpu.dma_semaphore, #tpu.memory_space<semaphore_mem>>)
    %dma_start3A_13 = arith.constant 0 : i32
    %dma_start3A_14 = tpu.memref_slice %arg3[%dma_start3A_13] : memref<500000xf32, #tpu.memory_space<hbm>> -> memref<10000xf32, #tpu.memory_space<hbm>>
    %dma_start3A_15 = arith.constant 0 : i32
    %dma_start3A_16 = tpu.memref_slice %arg3[%dma_start3A_15] : memref<500000xf32, #tpu.memory_space<hbm>> -> memref<10000xf32, #tpu.memory_space<hbm>>
    tpu.enqueue_dma source(%dma_start3A_16 : memref<10000xf32, #tpu.memory_space<hbm>>) target(%arg8 : memref<10000xf32, #tpu.memory_space<vmem>>) target_semaphore(%arg16 : memref<!tpu.dma_semaphore, #tpu.memory_space<semaphore_mem>>)
    %scan3A_17 = arith.constant 0 : i32
    %scan3A_18 = arith.constant 0 : i32
    %scan3A_19 = arith.constant 25 : i32
    %scan3A_20 = arith.addi %scan3A_18, %scan3A_19 : i32
    %scan3A_21 = arith.constant 1 : i32
    %scan3A_22 = scf.for %scan3A_44 = %scan3A_18 to %scan3A_20 step %scan3A_21 iter_args(%scan3A_45 = %scan3A_17) -> (i32)  : i32 {
      %mul3A_46 = arith.constant 2 : i32
      %mul3A_47 = arith.muli %scan3A_44, %mul3A_46 : i32
      %add3A_48 = arith.constant 0 : i32
      %add3A_49 = arith.addi %mul3A_47, %add3A_48 : i32
      %add3A_50 = arith.constant 1 : i32
      %add3A_51 = arith.addi %add3A_49, %add3A_50 : i32
      %lt3A_52 = arith.constant 50 : i32
      %lt3A_53 = arith.cmpi slt, %add3A_51, %lt3A_52 : i32
      %convert_element_type3A_54 = arith.extui %lt3A_53 : i1 to i32
      %cond3A_55 = arith.constant 0 : i32
      %cond3A_56 = arith.cmpi ne, %convert_element_type3A_54, %cond3A_55 : i32
      scf.if %cond3A_56 {
        %add3A_98 = arith.constant 1 : i32
        %add3A_99 = arith.addi %add3A_49, %add3A_98 : i32
        %mul3A_100 = arith.constant 10000 : i32
        %mul3A_101 = arith.muli %add3A_99, %mul3A_100 : i32
        %dma_start3A_102 = tpu.memref_slice %arg2[%mul3A_101] : memref<500000xi32, #tpu.memory_space<hbm>> -> memref<10000xi32, #tpu.memory_space<hbm>>
        %dma_start3A_103 = tpu.memref_slice %arg2[%mul3A_101] : memref<500000xi32, #tpu.memory_space<hbm>> -> memref<10000xi32, #tpu.memory_space<hbm>>
        tpu.enqueue_dma source(%dma_start3A_103 : memref<10000xi32, #tpu.memory_space<hbm>>) target(%arg9 : memref<10000xi32, #tpu.memory_space<vmem>>) target_semaphore(%arg17 : memref<!tpu.dma_semaphore, #tpu.memory_space<semaphore_mem>>)
        %mul3A_104 = arith.constant 10000 : i32
        %mul3A_105 = arith.muli %add3A_99, %mul3A_104 : i32
        %dma_start3A_106 = tpu.memref_slice %arg3[%mul3A_105] : memref<500000xf32, #tpu.memory_space<hbm>> -> memref<10000xf32, #tpu.memory_space<hbm>>
        %dma_start3A_107 = tpu.memref_slice %arg3[%mul3A_105] : memref<500000xf32, #tpu.memory_space<hbm>> -> memref<10000xf32, #tpu.memory_space<hbm>>
        tpu.enqueue_dma source(%dma_start3A_107 : memref<10000xf32, #tpu.memory_space<hbm>>) target(%arg10 : memref<10000xf32, #tpu.memory_space<vmem>>) target_semaphore(%arg17 : memref<!tpu.dma_semaphore, #tpu.memory_space<semaphore_mem>>)
      } else {
      }
      %dma_wait3A = arith.constant 0 : i32
      %dma_wait3A_57 = tpu.memref_slice %arg2[%dma_wait3A] : memref<500000xi32, #tpu.memory_space<hbm>> -> memref<10000xi32, #tpu.memory_space<hbm>>
      %dma_wait3A_58 = arith.constant 0 : i32
      %dma_wait3A_59 = tpu.memref_slice %arg2[%dma_wait3A_58] : memref<500000xi32, #tpu.memory_space<hbm>> -> memref<10000xi32, #tpu.memory_space<hbm>>
      tpu.wait_dma2 semaphore(%arg16 : memref<!tpu.dma_semaphore, #tpu.memory_space<semaphore_mem>>) src(%dma_wait3A_59 : memref<10000xi32, #tpu.memory_space<hbm>>) dst(%arg7 : memref<10000xi32, #tpu.memory_space<vmem>>)
      %dma_wait3A_60 = arith.constant 0 : i32
      %dma_wait3A_61 = tpu.memref_slice %arg3[%dma_wait3A_60] : memref<500000xf32, #tpu.memory_space<hbm>> -> memref<10000xf32, #tpu.memory_space<hbm>>
      %dma_wait3A_62 = arith.constant 0 : i32
      %dma_wait3A_63 = tpu.memref_slice %arg3[%dma_wait3A_62] : memref<500000xf32, #tpu.memory_space<hbm>> -> memref<10000xf32, #tpu.memory_space<hbm>>
      tpu.wait_dma2 semaphore(%arg16 : memref<!tpu.dma_semaphore, #tpu.memory_space<semaphore_mem>>) src(%dma_wait3A_63 : memref<10000xf32, #tpu.memory_space<hbm>>) dst(%arg8 : memref<10000xf32, #tpu.memory_space<vmem>>)
      %scan3A_64 = arith.constant 0 : i32
      %scan3A_65 = arith.constant 0 : i32
      %scan3A_66 = arith.constant 25 : i32
      %scan3A_67 = arith.addi %scan3A_65, %scan3A_66 : i32
      %scan3A_68 = arith.constant 1 : i32
      %scan3A_69 = scf.for %scan3A_98 = %scan3A_65 to %scan3A_67 step %scan3A_68 iter_args(%scan3A_99 = %scan3A_64) -> (i32)  : i32 {
        %mul3A_100 = arith.constant 25 : i32
        %mul3A_101 = arith.muli %scan3A_98, %mul3A_100 : i32
        %add3A_102 = arith.constant 0 : i32
        %add3A_103 = arith.addi %mul3A_101, %add3A_102 : i32
        %mul3A_104 = arith.constant 16 : i32
        %mul3A_105 = arith.muli %add3A_103, %mul3A_104 : i32
        %get3A = arith.index_cast %mul3A_105 : i32 to index
        %get3A_106 = tpu.vector_load %arg7[%get3A] {strides = array<i32>} : memref<10000xi32, #tpu.memory_space<vmem>>, vector<16xi32>,
        %mul3A_107 = arith.constant 16 : i32
        %mul3A_108 = arith.muli %add3A_103, %mul3A_107 : i32
        %get3A_109 = arith.index_cast %mul3A_108 : i32 to index
        %get3A_110 = tpu.vector_load %arg8[%get3A_109] {strides = array<i32>} : memref<10000xf32, #tpu.memory_space<vmem>>, vector<16xf32>,
        %sub3A = vector.broadcast %mul3A_2 : i32 to vector<16xi32>
        %sub3A_111 = arith.subi %get3A_106, %sub3A : vector<16xi32>
        %bitcast3A = vector.bitcast %sub3A_111 : vector<16xi32> to vector<16xi32>
        %min3A = arith.constant 32768 : i32
        %min3A_112 = vector.broadcast %min3A : i32 to vector<16xi32>
        %min3A_113 = arith.minui %bitcast3A, %min3A_112 : vector<16xi32>
        %bitcast3A_114 = vector.bitcast %min3A_113 : vector<16xi32> to vector<16xi32>
        tpu.vector_store_idx %arg6[%bitcast3A_114], %get3A_110 : memref<32784xf32, #tpu.memory_space<vmem>>[vector<16xi32>], vector<16xf32>,
        %mul3A_115 = arith.constant 25 : i32
        %mul3A_116 = arith.muli %scan3A_98, %mul3A_115 : i32
        %add3A_117 = arith.constant 1 : i32
        %add3A_118 = arith.addi %mul3A_116, %add3A_117 : i32
        %mul3A_119 = arith.constant 16 : i32
        %mul3A_120 = arith.muli %add3A_118, %mul3A_119 : i32
        %get3A_121 = arith.index_cast %mul3A_120 : i32 to index
        %get3A_122 = tpu.vector_load %arg7[%get3A_121] {strides = array<i32>} : memref<10000xi32, #tpu.memory_space<vmem>>, vector<16xi32>,
        %mul3A_123 = arith.constant 16 : i32
        %mul3A_124 = arith.muli %add3A_118, %mul3A_123 : i32
        %get3A_125 = arith.index_cast %mul3A_124 : i32 to index
        %get3A_126 = tpu.vector_load %arg8[%get3A_125] {strides = array<i32>} : memref<10000xf32, #tpu.memory_space<vmem>>, vector<16xf32>,
        %sub3A_127 = vector.broadcast %mul3A_2 : i32 to vector<16xi32>
        %sub3A_128 = arith.subi %get3A_122, %sub3A_127 : vector<16xi32>
        %bitcast3A_129 = vector.bitcast %sub3A_128 : vector<16xi32> to vector<16xi32>
        %min3A_130 = arith.constant 32768 : i32
        %min3A_131 = vector.broadcast %min3A_130 : i32 to vector<16xi32>
        %min3A_132 = arith.minui %bitcast3A_129, %min3A_131 : vector<16xi32>
        %bitcast3A_133 = vector.bitcast %min3A_132 : vector<16xi32> to vector<16xi32>
        tpu.vector_store_idx %arg6[%bitcast3A_133], %get3A_126 : memref<32784xf32, #tpu.memory_space<vmem>>[vector<16xi32>], vector<16xf32>,
        %mul3A_134 = arith.constant 25 : i32
        %mul3A_135 = arith.muli %scan3A_98, %mul3A_134 : i32
        %add3A_136 = arith.constant 2 : i32
        %add3A_137 = arith.addi %mul3A_135, %add3A_136 : i32
        %mul3A_138 = arith.constant 16 : i32
        %mul3A_139 = arith.muli %add3A_137, %mul3A_138 : i32
        %get3A_140 = arith.index_cast %mul3A_139 : i32 to index
        %get3A_141 = tpu.vector_load %arg7[%get3A_140] {strides = array<i32>} : memref<10000xi32, #tpu.memory_space<vmem>>, vector<16xi32>,
        %mul3A_142 = arith.constant 16 : i32
        %mul3A_143 = arith.muli %add3A_137, %mul3A_142 : i32
        %get3A_144 = arith.index_cast %mul3A_143 : i32 to index
        %get3A_145 = tpu.vector_load %arg8[%get3A_144] {strides = array<i32>} : memref<10000xf32, #tpu.memory_space<vmem>>, vector<16xf32>,
        %sub3A_146 = vector.broadcast %mul3A_2 : i32 to vector<16xi32>
        %sub3A_147 = arith.subi %get3A_141, %sub3A_146 : vector<16xi32>
        %bitcast3A_148 = vector.bitcast %sub3A_147 : vector<16xi32> to vector<16xi32>
        %min3A_149 = arith.constant 32768 : i32
        %min3A_150 = vector.broadcast %min3A_149 : i32 to vector<16xi32>
        %min3A_151 = arith.minui %bitcast3A_148, %min3A_150 : vector<16xi32>
        %bitcast3A_152 = vector.bitcast %min3A_151 : vector<16xi32> to vector<16xi32>
        tpu.vector_store_idx %arg6[%bitcast3A_152], %get3A_145 : memref<32784xf32, #tpu.memory_space<vmem>>[vector<16xi32>], vector<16xf32>,
        %mul3A_153 = arith.constant 25 : i32
        %mul3A_154 = arith.muli %scan3A_98, %mul3A_153 : i32
        %add3A_155 = arith.constant 3 : i32
        %add3A_156 = arith.addi %mul3A_154, %add3A_155 : i32
        %mul3A_157 = arith.constant 16 : i32
        %mul3A_158 = arith.muli %add3A_156, %mul3A_157 : i32
        %get3A_159 = arith.index_cast %mul3A_158 : i32 to index
        %get3A_160 = tpu.vector_load %arg7[%get3A_159] {strides = array<i32>} : memref<10000xi32, #tpu.memory_space<vmem>>, vector<16xi32>,
        %mul3A_161 = arith.constant 16 : i32
        %mul3A_162 = arith.muli %add3A_156, %mul3A_161 : i32
        %get3A_163 = arith.index_cast %mul3A_162 : i32 to index
        %get3A_164 = tpu.vector_load %arg8[%get3A_163] {strides = array<i32>} : memref<10000xf32, #tpu.memory_space<vmem>>, vector<16xf32>,
        %sub3A_165 = vector.broadcast %mul3A_2 : i32 to vector<16xi32>
        %sub3A_166 = arith.subi %get3A_160, %sub3A_165 : vector<16xi32>
        %bitcast3A_167 = vector.bitcast %sub3A_166 : vector<16xi32> to vector<16xi32>
        %min3A_168 = arith.constant 32768 : i32
        %min3A_169 = vector.broadcast %min3A_168 : i32 to vector<16xi32>
        %min3A_170 = arith.minui %bitcast3A_167, %min3A_169 : vector<16xi32>
        %bitcast3A_171 = vector.bitcast %min3A_170 : vector<16xi32> to vector<16xi32>
        tpu.vector_store_idx %arg6[%bitcast3A_171], %get3A_164 : memref<32784xf32, #tpu.memory_space<vmem>>[vector<16xi32>], vector<16xf32>,
        %mul3A_172 = arith.constant 25 : i32
        %mul3A_173 = arith.muli %scan3A_98, %mul3A_172 : i32
        %add3A_174 = arith.constant 4 : i32
        %add3A_175 = arith.addi %mul3A_173, %add3A_174 : i32
        %mul3A_176 = arith.constant 16 : i32
        %mul3A_177 = arith.muli %add3A_175, %mul3A_176 : i32
        %get3A_178 = arith.index_cast %mul3A_177 : i32 to index
        %get3A_179 = tpu.vector_load %arg7[%get3A_178] {strides = array<i32>} : memref<10000xi32, #tpu.memory_space<vmem>>, vector<16xi32>,
        %mul3A_180 = arith.constant 16 : i32
        %mul3A_181 = arith.muli %add3A_175, %mul3A_180 : i32
        %get3A_182 = arith.index_cast %mul3A_181 : i32 to index
        %get3A_183 = tpu.vector_load %arg8[%get3A_182] {strides = array<i32>} : memref<10000xf32, #tpu.memory_space<vmem>>, vector<16xf32>,
        %sub3A_184 = vector.broadcast %mul3A_2 : i32 to vector<16xi32>
        %sub3A_185 = arith.subi %get3A_179, %sub3A_184 : vector<16xi32>
        %bitcast3A_186 = vector.bitcast %sub3A_185 : vector<16xi32> to vector<16xi32>
        %min3A_187 = arith.constant 32768 : i32
        %min3A_188 = vector.broadcast %min3A_187 : i32 to vector<16xi32>
        %min3A_189 = arith.minui %bitcast3A_186, %min3A_188 : vector<16xi32>
        %bitcast3A_190 = vector.bitcast %min3A_189 : vector<16xi32> to vector<16xi32>
        tpu.vector_store_idx %arg6[%bitcast3A_190], %get3A_183 : memref<32784xf32, #tpu.memory_space<vmem>>[vector<16xi32>], vector<16xf32>,
        %mul3A_191 = arith.constant 25 : i32
        %mul3A_192 = arith.muli %scan3A_98, %mul3A_191 : i32
        %add3A_193 = arith.constant 5 : i32
        %add3A_194 = arith.addi %mul3A_192, %add3A_193 : i32
        %mul3A_195 = arith.constant 16 : i32
        %mul3A_196 = arith.muli %add3A_194, %mul3A_195 : i32
        %get3A_197 = arith.index_cast %mul3A_196 : i32 to index
        %get3A_198 = tpu.vector_load %arg7[%get3A_197] {strides = array<i32>} : memref<10000xi32, #tpu.memory_space<vmem>>, vector<16xi32>,
        %mul3A_199 = arith.constant 16 : i32
        %mul3A_200 = arith.muli %add3A_194, %mul3A_199 : i32
        %get3A_201 = arith.index_cast %mul3A_200 : i32 to index
        %get3A_202 = tpu.vector_load %arg8[%get3A_201] {strides = array<i32>} : memref<10000xf32, #tpu.memory_space<vmem>>, vector<16xf32>,
        %sub3A_203 = vector.broadcast %mul3A_2 : i32 to vector<16xi32>
        %sub3A_204 = arith.subi %get3A_198, %sub3A_203 : vector<16xi32>
        %bitcast3A_205 = vector.bitcast %sub3A_204 : vector<16xi32> to vector<16xi32>
        %min3A_206 = arith.constant 32768 : i32
        %min3A_207 = vector.broadcast %min3A_206 : i32 to vector<16xi32>
        %min3A_208 = arith.minui %bitcast3A_205, %min3A_207 : vector<16xi32>
        %bitcast3A_209 = vector.bitcast %min3A_208 : vector<16xi32> to vector<16xi32>
        tpu.vector_store_idx %arg6[%bitcast3A_209], %get3A_202 : memref<32784xf32, #tpu.memory_space<vmem>>[vector<16xi32>], vector<16xf32>,
        %mul3A_210 = arith.constant 25 : i32
        %mul3A_211 = arith.muli %scan3A_98, %mul3A_210 : i32
        %add3A_212 = arith.constant 6 : i32
        %add3A_213 = arith.addi %mul3A_211, %add3A_212 : i32
        %mul3A_214 = arith.constant 16 : i32
        %mul3A_215 = arith.muli %add3A_213, %mul3A_214 : i32
        %get3A_216 = arith.index_cast %mul3A_215 : i32 to index
        %get3A_217 = tpu.vector_load %arg7[%get3A_216] {strides = array<i32>} : memref<10000xi32, #tpu.memory_space<vmem>>, vector<16xi32>,
        %mul3A_218 = arith.constant 16 : i32
        %mul3A_219 = arith.muli %add3A_213, %mul3A_218 : i32
        %get3A_220 = arith.index_cast %mul3A_219 : i32 to index
        %get3A_221 = tpu.vector_load %arg8[%get3A_220] {strides = array<i32>} : memref<10000xf32, #tpu.memory_space<vmem>>, vector<16xf32>,
        %sub3A_222 = vector.broadcast %mul3A_2 : i32 to vector<16xi32>
        %sub3A_223 = arith.subi %get3A_217, %sub3A_222 : vector<16xi32>
        %bitcast3A_224 = vector.bitcast %sub3A_223 : vector<16xi32> to vector<16xi32>
        %min3A_225 = arith.constant 32768 : i32
        %min3A_226 = vector.broadcast %min3A_225 : i32 to vector<16xi32>
        %min3A_227 = arith.minui %bitcast3A_224, %min3A_226 : vector<16xi32>
        %bitcast3A_228 = vector.bitcast %min3A_227 : vector<16xi32> to vector<16xi32>
        tpu.vector_store_idx %arg6[%bitcast3A_228], %get3A_221 : memref<32784xf32, #tpu.memory_space<vmem>>[vector<16xi32>], vector<16xf32>,
        %mul3A_229 = arith.constant 25 : i32
        %mul3A_230 = arith.muli %scan3A_98, %mul3A_229 : i32
        %add3A_231 = arith.constant 7 : i32
        %add3A_232 = arith.addi %mul3A_230, %add3A_231 : i32
        %mul3A_233 = arith.constant 16 : i32
        %mul3A_234 = arith.muli %add3A_232, %mul3A_233 : i32
        %get3A_235 = arith.index_cast %mul3A_234 : i32 to index
        %get3A_236 = tpu.vector_load %arg7[%get3A_235] {strides = array<i32>} : memref<10000xi32, #tpu.memory_space<vmem>>, vector<16xi32>,
        %mul3A_237 = arith.constant 16 : i32
        %mul3A_238 = arith.muli %add3A_232, %mul3A_237 : i32
        %get3A_239 = arith.index_cast %mul3A_238 : i32 to index
        %get3A_240 = tpu.vector_load %arg8[%get3A_239] {strides = array<i32>} : memref<10000xf32, #tpu.memory_space<vmem>>, vector<16xf32>,
        %sub3A_241 = vector.broadcast %mul3A_2 : i32 to vector<16xi32>
        %sub3A_242 = arith.subi %get3A_236, %sub3A_241 : vector<16xi32>
        %bitcast3A_243 = vector.bitcast %sub3A_242 : vector<16xi32> to vector<16xi32>
        %min3A_244 = arith.constant 32768 : i32
        %min3A_245 = vector.broadcast %min3A_244 : i32 to vector<16xi32>
        %min3A_246 = arith.minui %bitcast3A_243, %min3A_245 : vector<16xi32>
        %bitcast3A_247 = vector.bitcast %min3A_246 : vector<16xi32> to vector<16xi32>
        tpu.vector_store_idx %arg6[%bitcast3A_247], %get3A_240 : memref<32784xf32, #tpu.memory_space<vmem>>[vector<16xi32>], vector<16xf32>,
        %mul3A_248 = arith.constant 25 : i32
        %mul3A_249 = arith.muli %scan3A_98, %mul3A_248 : i32
        %add3A_250 = arith.constant 8 : i32
        %add3A_251 = arith.addi %mul3A_249, %add3A_250 : i32
        %mul3A_252 = arith.constant 16 : i32
        %mul3A_253 = arith.muli %add3A_251, %mul3A_252 : i32
        %get3A_254 = arith.index_cast %mul3A_253 : i32 to index
        %get3A_255 = tpu.vector_load %arg7[%get3A_254] {strides = array<i32>} : memref<10000xi32, #tpu.memory_space<vmem>>, vector<16xi32>,
        %mul3A_256 = arith.constant 16 : i32
        %mul3A_257 = arith.muli %add3A_251, %mul3A_256 : i32
        %get3A_258 = arith.index_cast %mul3A_257 : i32 to index
        %get3A_259 = tpu.vector_load %arg8[%get3A_258] {strides = array<i32>} : memref<10000xf32, #tpu.memory_space<vmem>>, vector<16xf32>,
        %sub3A_260 = vector.broadcast %mul3A_2 : i32 to vector<16xi32>
        %sub3A_261 = arith.subi %get3A_255, %sub3A_260 : vector<16xi32>
        %bitcast3A_262 = vector.bitcast %sub3A_261 : vector<16xi32> to vector<16xi32>
        %min3A_263 = arith.constant 32768 : i32
        %min3A_264 = vector.broadcast %min3A_263 : i32 to vector<16xi32>
        %min3A_265 = arith.minui %bitcast3A_262, %min3A_264 : vector<16xi32>
        %bitcast3A_266 = vector.bitcast %min3A_265 : vector<16xi32> to vector<16xi32>
        tpu.vector_store_idx %arg6[%bitcast3A_266], %get3A_259 : memref<32784xf32, #tpu.memory_space<vmem>>[vector<16xi32>], vector<16xf32>,
        %mul3A_267 = arith.constant 25 : i32
        %mul3A_268 = arith.muli %scan3A_98, %mul3A_267 : i32
        %add3A_269 = arith.constant 9 : i32
        %add3A_270 = arith.addi %mul3A_268, %add3A_269 : i32
        %mul3A_271 = arith.constant 16 : i32
        %mul3A_272 = arith.muli %add3A_270, %mul3A_271 : i32
        %get3A_273 = arith.index_cast %mul3A_272 : i32 to index
        %get3A_274 = tpu.vector_load %arg7[%get3A_273] {strides = array<i32>} : memref<10000xi32, #tpu.memory_space<vmem>>, vector<16xi32>,
        %mul3A_275 = arith.constant 16 : i32
        %mul3A_276 = arith.muli %add3A_270, %mul3A_275 : i32
        %get3A_277 = arith.index_cast %mul3A_276 : i32 to index
        %get3A_278 = tpu.vector_load %arg8[%get3A_277] {strides = array<i32>} : memref<10000xf32, #tpu.memory_space<vmem>>, vector<16xf32>,
        %sub3A_279 = vector.broadcast %mul3A_2 : i32 to vector<16xi32>
        %sub3A_280 = arith.subi %get3A_274, %sub3A_279 : vector<16xi32>
        %bitcast3A_281 = vector.bitcast %sub3A_280 : vector<16xi32> to vector<16xi32>
        %min3A_282 = arith.constant 32768 : i32
        %min3A_283 = vector.broadcast %min3A_282 : i32 to vector<16xi32>
        %min3A_284 = arith.minui %bitcast3A_281, %min3A_283 : vector<16xi32>
        %bitcast3A_285 = vector.bitcast %min3A_284 : vector<16xi32> to vector<16xi32>
        tpu.vector_store_idx %arg6[%bitcast3A_285], %get3A_278 : memref<32784xf32, #tpu.memory_space<vmem>>[vector<16xi32>], vector<16xf32>,
        %mul3A_286 = arith.constant 25 : i32
        %mul3A_287 = arith.muli %scan3A_98, %mul3A_286 : i32
        %add3A_288 = arith.constant 10 : i32
        %add3A_289 = arith.addi %mul3A_287, %add3A_288 : i32
        %mul3A_290 = arith.constant 16 : i32
        %mul3A_291 = arith.muli %add3A_289, %mul3A_290 : i32
        %get3A_292 = arith.index_cast %mul3A_291 : i32 to index
        %get3A_293 = tpu.vector_load %arg7[%get3A_292] {strides = array<i32>} : memref<10000xi32, #tpu.memory_space<vmem>>, vector<16xi32>,
        %mul3A_294 = arith.constant 16 : i32
        %mul3A_295 = arith.muli %add3A_289, %mul3A_294 : i32
        %get3A_296 = arith.index_cast %mul3A_295 : i32 to index
        %get3A_297 = tpu.vector_load %arg8[%get3A_296] {strides = array<i32>} : memref<10000xf32, #tpu.memory_space<vmem>>, vector<16xf32>,
        %sub3A_298 = vector.broadcast %mul3A_2 : i32 to vector<16xi32>
        %sub3A_299 = arith.subi %get3A_293, %sub3A_298 : vector<16xi32>
        %bitcast3A_300 = vector.bitcast %sub3A_299 : vector<16xi32> to vector<16xi32>
        %min3A_301 = arith.constant 32768 : i32
        %min3A_302 = vector.broadcast %min3A_301 : i32 to vector<16xi32>
        %min3A_303 = arith.minui %bitcast3A_300, %min3A_302 : vector<16xi32>
        %bitcast3A_304 = vector.bitcast %min3A_303 : vector<16xi32> to vector<16xi32>
        tpu.vector_store_idx %arg6[%bitcast3A_304], %get3A_297 : memref<32784xf32, #tpu.memory_space<vmem>>[vector<16xi32>], vector<16xf32>,
        %mul3A_305 = arith.constant 25 : i32
        %mul3A_306 = arith.muli %scan3A_98, %mul3A_305 : i32
        %add3A_307 = arith.constant 11 : i32
        %add3A_308 = arith.addi %mul3A_306, %add3A_307 : i32
        %mul3A_309 = arith.constant 16 : i32
        %mul3A_310 = arith.muli %add3A_308, %mul3A_309 : i32
        %get3A_311 = arith.index_cast %mul3A_310 : i32 to index
        %get3A_312 = tpu.vector_load %arg7[%get3A_311] {strides = array<i32>} : memref<10000xi32, #tpu.memory_space<vmem>>, vector<16xi32>,
        %mul3A_313 = arith.constant 16 : i32
        %mul3A_314 = arith.muli %add3A_308, %mul3A_313 : i32
        %get3A_315 = arith.index_cast %mul3A_314 : i32 to index
        %get3A_316 = tpu.vector_load %arg8[%get3A_315] {strides = array<i32>} : memref<10000xf32, #tpu.memory_space<vmem>>, vector<16xf32>,
        %sub3A_317 = vector.broadcast %mul3A_2 : i32 to vector<16xi32>
        %sub3A_318 = arith.subi %get3A_312, %sub3A_317 : vector<16xi32>
        %bitcast3A_319 = vector.bitcast %sub3A_318 : vector<16xi32> to vector<16xi32>
        %min3A_320 = arith.constant 32768 : i32
        %min3A_321 = vector.broadcast %min3A_320 : i32 to vector<16xi32>
        %min3A_322 = arith.minui %bitcast3A_319, %min3A_321 : vector<16xi32>
        %bitcast3A_323 = vector.bitcast %min3A_322 : vector<16xi32> to vector<16xi32>
        tpu.vector_store_idx %arg6[%bitcast3A_323], %get3A_316 : memref<32784xf32, #tpu.memory_space<vmem>>[vector<16xi32>], vector<16xf32>,
        %mul3A_324 = arith.constant 25 : i32
        %mul3A_325 = arith.muli %scan3A_98, %mul3A_324 : i32
        %add3A_326 = arith.constant 12 : i32
        %add3A_327 = arith.addi %mul3A_325, %add3A_326 : i32
        %mul3A_328 = arith.constant 16 : i32
        %mul3A_329 = arith.muli %add3A_327, %mul3A_328 : i32
        %get3A_330 = arith.index_cast %mul3A_329 : i32 to index
        %get3A_331 = tpu.vector_load %arg7[%get3A_330] {strides = array<i32>} : memref<10000xi32, #tpu.memory_space<vmem>>, vector<16xi32>,
        %mul3A_332 = arith.constant 16 : i32
        %mul3A_333 = arith.muli %add3A_327, %mul3A_332 : i32
        %get3A_334 = arith.index_cast %mul3A_333 : i32 to index
        %get3A_335 = tpu.vector_load %arg8[%get3A_334] {strides = array<i32>} : memref<10000xf32, #tpu.memory_space<vmem>>, vector<16xf32>,
        %sub3A_336 = vector.broadcast %mul3A_2 : i32 to vector<16xi32>
        %sub3A_337 = arith.subi %get3A_331, %sub3A_336 : vector<16xi32>
        %bitcast3A_338 = vector.bitcast %sub3A_337 : vector<16xi32> to vector<16xi32>
        %min3A_339 = arith.constant 32768 : i32
        %min3A_340 = vector.broadcast %min3A_339 : i32 to vector<16xi32>
        %min3A_341 = arith.minui %bitcast3A_338, %min3A_340 : vector<16xi32>
        %bitcast3A_342 = vector.bitcast %min3A_341 : vector<16xi32> to vector<16xi32>
        tpu.vector_store_idx %arg6[%bitcast3A_342], %get3A_335 : memref<32784xf32, #tpu.memory_space<vmem>>[vector<16xi32>], vector<16xf32>,
        %mul3A_343 = arith.constant 25 : i32
        %mul3A_344 = arith.muli %scan3A_98, %mul3A_343 : i32
        %add3A_345 = arith.constant 13 : i32
        %add3A_346 = arith.addi %mul3A_344, %add3A_345 : i32
        %mul3A_347 = arith.constant 16 : i32
        %mul3A_348 = arith.muli %add3A_346, %mul3A_347 : i32
        %get3A_349 = arith.index_cast %mul3A_348 : i32 to index
        %get3A_350 = tpu.vector_load %arg7[%get3A_349] {strides = array<i32>} : memref<10000xi32, #tpu.memory_space<vmem>>, vector<16xi32>,
        %mul3A_351 = arith.constant 16 : i32
        %mul3A_352 = arith.muli %add3A_346, %mul3A_351 : i32
        %get3A_353 = arith.index_cast %mul3A_352 : i32 to index
        %get3A_354 = tpu.vector_load %arg8[%get3A_353] {strides = array<i32>} : memref<10000xf32, #tpu.memory_space<vmem>>, vector<16xf32>,
        %sub3A_355 = vector.broadcast %mul3A_2 : i32 to vector<16xi32>
        %sub3A_356 = arith.subi %get3A_350, %sub3A_355 : vector<16xi32>
        %bitcast3A_357 = vector.bitcast %sub3A_356 : vector<16xi32> to vector<16xi32>
        %min3A_358 = arith.constant 32768 : i32
        %min3A_359 = vector.broadcast %min3A_358 : i32 to vector<16xi32>
        %min3A_360 = arith.minui %bitcast3A_357, %min3A_359 : vector<16xi32>
        %bitcast3A_361 = vector.bitcast %min3A_360 : vector<16xi32> to vector<16xi32>
        tpu.vector_store_idx %arg6[%bitcast3A_361], %get3A_354 : memref<32784xf32, #tpu.memory_space<vmem>>[vector<16xi32>], vector<16xf32>,
        %mul3A_362 = arith.constant 25 : i32
        %mul3A_363 = arith.muli %scan3A_98, %mul3A_362 : i32
        %add3A_364 = arith.constant 14 : i32
        %add3A_365 = arith.addi %mul3A_363, %add3A_364 : i32
        %mul3A_366 = arith.constant 16 : i32
        %mul3A_367 = arith.muli %add3A_365, %mul3A_366 : i32
        %get3A_368 = arith.index_cast %mul3A_367 : i32 to index
        %get3A_369 = tpu.vector_load %arg7[%get3A_368] {strides = array<i32>} : memref<10000xi32, #tpu.memory_space<vmem>>, vector<16xi32>,
        %mul3A_370 = arith.constant 16 : i32
        %mul3A_371 = arith.muli %add3A_365, %mul3A_370 : i32
        %get3A_372 = arith.index_cast %mul3A_371 : i32 to index
        %get3A_373 = tpu.vector_load %arg8[%get3A_372] {strides = array<i32>} : memref<10000xf32, #tpu.memory_space<vmem>>, vector<16xf32>,
        %sub3A_374 = vector.broadcast %mul3A_2 : i32 to vector<16xi32>
        %sub3A_375 = arith.subi %get3A_369, %sub3A_374 : vector<16xi32>
        %bitcast3A_376 = vector.bitcast %sub3A_375 : vector<16xi32> to vector<16xi32>
        %min3A_377 = arith.constant 32768 : i32
        %min3A_378 = vector.broadcast %min3A_377 : i32 to vector<16xi32>
        %min3A_379 = arith.minui %bitcast3A_376, %min3A_378 : vector<16xi32>
        %bitcast3A_380 = vector.bitcast %min3A_379 : vector<16xi32> to vector<16xi32>
        tpu.vector_store_idx %arg6[%bitcast3A_380], %get3A_373 : memref<32784xf32, #tpu.memory_space<vmem>>[vector<16xi32>], vector<16xf32>,
        %mul3A_381 = arith.constant 25 : i32
        %mul3A_382 = arith.muli %scan3A_98, %mul3A_381 : i32
        %add3A_383 = arith.constant 15 : i32
        %add3A_384 = arith.addi %mul3A_382, %add3A_383 : i32
        %mul3A_385 = arith.constant 16 : i32
        %mul3A_386 = arith.muli %add3A_384, %mul3A_385 : i32
        %get3A_387 = arith.index_cast %mul3A_386 : i32 to index
        %get3A_388 = tpu.vector_load %arg7[%get3A_387] {strides = array<i32>} : memref<10000xi32, #tpu.memory_space<vmem>>, vector<16xi32>,
        %mul3A_389 = arith.constant 16 : i32
        %mul3A_390 = arith.muli %add3A_384, %mul3A_389 : i32
        %get3A_391 = arith.index_cast %mul3A_390 : i32 to index
        %get3A_392 = tpu.vector_load %arg8[%get3A_391] {strides = array<i32>} : memref<10000xf32, #tpu.memory_space<vmem>>, vector<16xf32>,
        %sub3A_393 = vector.broadcast %mul3A_2 : i32 to vector<16xi32>
        %sub3A_394 = arith.subi %get3A_388, %sub3A_393 : vector<16xi32>
        %bitcast3A_395 = vector.bitcast %sub3A_394 : vector<16xi32> to vector<16xi32>
        %min3A_396 = arith.constant 32768 : i32
        %min3A_397 = vector.broadcast %min3A_396 : i32 to vector<16xi32>
        %min3A_398 = arith.minui %bitcast3A_395, %min3A_397 : vector<16xi32>
        %bitcast3A_399 = vector.bitcast %min3A_398 : vector<16xi32> to vector<16xi32>
        tpu.vector_store_idx %arg6[%bitcast3A_399], %get3A_392 : memref<32784xf32, #tpu.memory_space<vmem>>[vector<16xi32>], vector<16xf32>,
        %mul3A_400 = arith.constant 25 : i32
        %mul3A_401 = arith.muli %scan3A_98, %mul3A_400 : i32
        %add3A_402 = arith.constant 16 : i32
        %add3A_403 = arith.addi %mul3A_401, %add3A_402 : i32
        %mul3A_404 = arith.constant 16 : i32
        %mul3A_405 = arith.muli %add3A_403, %mul3A_404 : i32
        %get3A_406 = arith.index_cast %mul3A_405 : i32 to index
        %get3A_407 = tpu.vector_load %arg7[%get3A_406] {strides = array<i32>} : memref<10000xi32, #tpu.memory_space<vmem>>, vector<16xi32>,
        %mul3A_408 = arith.constant 16 : i32
        %mul3A_409 = arith.muli %add3A_403, %mul3A_408 : i32
        %get3A_410 = arith.index_cast %mul3A_409 : i32 to index
        %get3A_411 = tpu.vector_load %arg8[%get3A_410] {strides = array<i32>} : memref<10000xf32, #tpu.memory_space<vmem>>, vector<16xf32>,
        %sub3A_412 = vector.broadcast %mul3A_2 : i32 to vector<16xi32>
        %sub3A_413 = arith.subi %get3A_407, %sub3A_412 : vector<16xi32>
        %bitcast3A_414 = vector.bitcast %sub3A_413 : vector<16xi32> to vector<16xi32>
        %min3A_415 = arith.constant 32768 : i32
        %min3A_416 = vector.broadcast %min3A_415 : i32 to vector<16xi32>
        %min3A_417 = arith.minui %bitcast3A_414, %min3A_416 : vector<16xi32>
        %bitcast3A_418 = vector.bitcast %min3A_417 : vector<16xi32> to vector<16xi32>
        tpu.vector_store_idx %arg6[%bitcast3A_418], %get3A_411 : memref<32784xf32, #tpu.memory_space<vmem>>[vector<16xi32>], vector<16xf32>,
        %mul3A_419 = arith.constant 25 : i32
        %mul3A_420 = arith.muli %scan3A_98, %mul3A_419 : i32
        %add3A_421 = arith.constant 17 : i32
        %add3A_422 = arith.addi %mul3A_420, %add3A_421 : i32
        %mul3A_423 = arith.constant 16 : i32
        %mul3A_424 = arith.muli %add3A_422, %mul3A_423 : i32
        %get3A_425 = arith.index_cast %mul3A_424 : i32 to index
        %get3A_426 = tpu.vector_load %arg7[%get3A_425] {strides = array<i32>} : memref<10000xi32, #tpu.memory_space<vmem>>, vector<16xi32>,
        %mul3A_427 = arith.constant 16 : i32
        %mul3A_428 = arith.muli %add3A_422, %mul3A_427 : i32
        %get3A_429 = arith.index_cast %mul3A_428 : i32 to index
        %get3A_430 = tpu.vector_load %arg8[%get3A_429] {strides = array<i32>} : memref<10000xf32, #tpu.memory_space<vmem>>, vector<16xf32>,
        %sub3A_431 = vector.broadcast %mul3A_2 : i32 to vector<16xi32>
        %sub3A_432 = arith.subi %get3A_426, %sub3A_431 : vector<16xi32>
        %bitcast3A_433 = vector.bitcast %sub3A_432 : vector<16xi32> to vector<16xi32>
        %min3A_434 = arith.constant 32768 : i32
        %min3A_435 = vector.broadcast %min3A_434 : i32 to vector<16xi32>
        %min3A_436 = arith.minui %bitcast3A_433, %min3A_435 : vector<16xi32>
        %bitcast3A_437 = vector.bitcast %min3A_436 : vector<16xi32> to vector<16xi32>
        tpu.vector_store_idx %arg6[%bitcast3A_437], %get3A_430 : memref<32784xf32, #tpu.memory_space<vmem>>[vector<16xi32>], vector<16xf32>,
        %mul3A_438 = arith.constant 25 : i32
        %mul3A_439 = arith.muli %scan3A_98, %mul3A_438 : i32
        %add3A_440 = arith.constant 18 : i32
        %add3A_441 = arith.addi %mul3A_439, %add3A_440 : i32
        %mul3A_442 = arith.constant 16 : i32
        %mul3A_443 = arith.muli %add3A_441, %mul3A_442 : i32
        %get3A_444 = arith.index_cast %mul3A_443 : i32 to index
        %get3A_445 = tpu.vector_load %arg7[%get3A_444] {strides = array<i32>} : memref<10000xi32, #tpu.memory_space<vmem>>, vector<16xi32>,
        %mul3A_446 = arith.constant 16 : i32
        %mul3A_447 = arith.muli %add3A_441, %mul3A_446 : i32
        %get3A_448 = arith.index_cast %mul3A_447 : i32 to index
        %get3A_449 = tpu.vector_load %arg8[%get3A_448] {strides = array<i32>} : memref<10000xf32, #tpu.memory_space<vmem>>, vector<16xf32>,
        %sub3A_450 = vector.broadcast %mul3A_2 : i32 to vector<16xi32>
        %sub3A_451 = arith.subi %get3A_445, %sub3A_450 : vector<16xi32>
        %bitcast3A_452 = vector.bitcast %sub3A_451 : vector<16xi32> to vector<16xi32>
        %min3A_453 = arith.constant 32768 : i32
        %min3A_454 = vector.broadcast %min3A_453 : i32 to vector<16xi32>
        %min3A_455 = arith.minui %bitcast3A_452, %min3A_454 : vector<16xi32>
        %bitcast3A_456 = vector.bitcast %min3A_455 : vector<16xi32> to vector<16xi32>
        tpu.vector_store_idx %arg6[%bitcast3A_456], %get3A_449 : memref<32784xf32, #tpu.memory_space<vmem>>[vector<16xi32>], vector<16xf32>,
        %mul3A_457 = arith.constant 25 : i32
        %mul3A_458 = arith.muli %scan3A_98, %mul3A_457 : i32
        %add3A_459 = arith.constant 19 : i32
        %add3A_460 = arith.addi %mul3A_458, %add3A_459 : i32
        %mul3A_461 = arith.constant 16 : i32
        %mul3A_462 = arith.muli %add3A_460, %mul3A_461 : i32
        %get3A_463 = arith.index_cast %mul3A_462 : i32 to index
        %get3A_464 = tpu.vector_load %arg7[%get3A_463] {strides = array<i32>} : memref<10000xi32, #tpu.memory_space<vmem>>, vector<16xi32>,
        %mul3A_465 = arith.constant 16 : i32
        %mul3A_466 = arith.muli %add3A_460, %mul3A_465 : i32
        %get3A_467 = arith.index_cast %mul3A_466 : i32 to index
        %get3A_468 = tpu.vector_load %arg8[%get3A_467] {strides = array<i32>} : memref<10000xf32, #tpu.memory_space<vmem>>, vector<16xf32>,
        %sub3A_469 = vector.broadcast %mul3A_2 : i32 to vector<16xi32>
        %sub3A_470 = arith.subi %get3A_464, %sub3A_469 : vector<16xi32>
        %bitcast3A_471 = vector.bitcast %sub3A_470 : vector<16xi32> to vector<16xi32>
        %min3A_472 = arith.constant 32768 : i32
        %min3A_473 = vector.broadcast %min3A_472 : i32 to vector<16xi32>
        %min3A_474 = arith.minui %bitcast3A_471, %min3A_473 : vector<16xi32>
        %bitcast3A_475 = vector.bitcast %min3A_474 : vector<16xi32> to vector<16xi32>
        tpu.vector_store_idx %arg6[%bitcast3A_475], %get3A_468 : memref<32784xf32, #tpu.memory_space<vmem>>[vector<16xi32>], vector<16xf32>,
        %mul3A_476 = arith.constant 25 : i32
        %mul3A_477 = arith.muli %scan3A_98, %mul3A_476 : i32
        %add3A_478 = arith.constant 20 : i32
        %add3A_479 = arith.addi %mul3A_477, %add3A_478 : i32
        %mul3A_480 = arith.constant 16 : i32
        %mul3A_481 = arith.muli %add3A_479, %mul3A_480 : i32
        %get3A_482 = arith.index_cast %mul3A_481 : i32 to index
        %get3A_483 = tpu.vector_load %arg7[%get3A_482] {strides = array<i32>} : memref<10000xi32, #tpu.memory_space<vmem>>, vector<16xi32>,
        %mul3A_484 = arith.constant 16 : i32
        %mul3A_485 = arith.muli %add3A_479, %mul3A_484 : i32
        %get3A_486 = arith.index_cast %mul3A_485 : i32 to index
        %get3A_487 = tpu.vector_load %arg8[%get3A_486] {strides = array<i32>} : memref<10000xf32, #tpu.memory_space<vmem>>, vector<16xf32>,
        %sub3A_488 = vector.broadcast %mul3A_2 : i32 to vector<16xi32>
        %sub3A_489 = arith.subi %get3A_483, %sub3A_488 : vector<16xi32>
        %bitcast3A_490 = vector.bitcast %sub3A_489 : vector<16xi32> to vector<16xi32>
        %min3A_491 = arith.constant 32768 : i32
        %min3A_492 = vector.broadcast %min3A_491 : i32 to vector<16xi32>
        %min3A_493 = arith.minui %bitcast3A_490, %min3A_492 : vector<16xi32>
        %bitcast3A_494 = vector.bitcast %min3A_493 : vector<16xi32> to vector<16xi32>
        tpu.vector_store_idx %arg6[%bitcast3A_494], %get3A_487 : memref<32784xf32, #tpu.memory_space<vmem>>[vector<16xi32>], vector<16xf32>,
        %mul3A_495 = arith.constant 25 : i32
        %mul3A_496 = arith.muli %scan3A_98, %mul3A_495 : i32
        %add3A_497 = arith.constant 21 : i32
        %add3A_498 = arith.addi %mul3A_496, %add3A_497 : i32
        %mul3A_499 = arith.constant 16 : i32
        %mul3A_500 = arith.muli %add3A_498, %mul3A_499 : i32
        %get3A_501 = arith.index_cast %mul3A_500 : i32 to index
        %get3A_502 = tpu.vector_load %arg7[%get3A_501] {strides = array<i32>} : memref<10000xi32, #tpu.memory_space<vmem>>, vector<16xi32>,
        %mul3A_503 = arith.constant 16 : i32
        %mul3A_504 = arith.muli %add3A_498, %mul3A_503 : i32
        %get3A_505 = arith.index_cast %mul3A_504 : i32 to index
        %get3A_506 = tpu.vector_load %arg8[%get3A_505] {strides = array<i32>} : memref<10000xf32, #tpu.memory_space<vmem>>, vector<16xf32>,
        %sub3A_507 = vector.broadcast %mul3A_2 : i32 to vector<16xi32>
        %sub3A_508 = arith.subi %get3A_502, %sub3A_507 : vector<16xi32>
        %bitcast3A_509 = vector.bitcast %sub3A_508 : vector<16xi32> to vector<16xi32>
        %min3A_510 = arith.constant 32768 : i32
        %min3A_511 = vector.broadcast %min3A_510 : i32 to vector<16xi32>
        %min3A_512 = arith.minui %bitcast3A_509, %min3A_511 : vector<16xi32>
        %bitcast3A_513 = vector.bitcast %min3A_512 : vector<16xi32> to vector<16xi32>
        tpu.vector_store_idx %arg6[%bitcast3A_513], %get3A_506 : memref<32784xf32, #tpu.memory_space<vmem>>[vector<16xi32>], vector<16xf32>,
        %mul3A_514 = arith.constant 25 : i32
        %mul3A_515 = arith.muli %scan3A_98, %mul3A_514 : i32
        %add3A_516 = arith.constant 22 : i32
        %add3A_517 = arith.addi %mul3A_515, %add3A_516 : i32
        %mul3A_518 = arith.constant 16 : i32
        %mul3A_519 = arith.muli %add3A_517, %mul3A_518 : i32
        %get3A_520 = arith.index_cast %mul3A_519 : i32 to index
        %get3A_521 = tpu.vector_load %arg7[%get3A_520] {strides = array<i32>} : memref<10000xi32, #tpu.memory_space<vmem>>, vector<16xi32>,
        %mul3A_522 = arith.constant 16 : i32
        %mul3A_523 = arith.muli %add3A_517, %mul3A_522 : i32
        %get3A_524 = arith.index_cast %mul3A_523 : i32 to index
        %get3A_525 = tpu.vector_load %arg8[%get3A_524] {strides = array<i32>} : memref<10000xf32, #tpu.memory_space<vmem>>, vector<16xf32>,
        %sub3A_526 = vector.broadcast %mul3A_2 : i32 to vector<16xi32>
        %sub3A_527 = arith.subi %get3A_521, %sub3A_526 : vector<16xi32>
        %bitcast3A_528 = vector.bitcast %sub3A_527 : vector<16xi32> to vector<16xi32>
        %min3A_529 = arith.constant 32768 : i32
        %min3A_530 = vector.broadcast %min3A_529 : i32 to vector<16xi32>
        %min3A_531 = arith.minui %bitcast3A_528, %min3A_530 : vector<16xi32>
        %bitcast3A_532 = vector.bitcast %min3A_531 : vector<16xi32> to vector<16xi32>
        tpu.vector_store_idx %arg6[%bitcast3A_532], %get3A_525 : memref<32784xf32, #tpu.memory_space<vmem>>[vector<16xi32>], vector<16xf32>,
        %mul3A_533 = arith.constant 25 : i32
        %mul3A_534 = arith.muli %scan3A_98, %mul3A_533 : i32
        %add3A_535 = arith.constant 23 : i32
        %add3A_536 = arith.addi %mul3A_534, %add3A_535 : i32
        %mul3A_537 = arith.constant 16 : i32
        %mul3A_538 = arith.muli %add3A_536, %mul3A_537 : i32
        %get3A_539 = arith.index_cast %mul3A_538 : i32 to index
        %get3A_540 = tpu.vector_load %arg7[%get3A_539] {strides = array<i32>} : memref<10000xi32, #tpu.memory_space<vmem>>, vector<16xi32>,
        %mul3A_541 = arith.constant 16 : i32
        %mul3A_542 = arith.muli %add3A_536, %mul3A_541 : i32
        %get3A_543 = arith.index_cast %mul3A_542 : i32 to index
        %get3A_544 = tpu.vector_load %arg8[%get3A_543] {strides = array<i32>} : memref<10000xf32, #tpu.memory_space<vmem>>, vector<16xf32>,
        %sub3A_545 = vector.broadcast %mul3A_2 : i32 to vector<16xi32>
        %sub3A_546 = arith.subi %get3A_540, %sub3A_545 : vector<16xi32>
        %bitcast3A_547 = vector.bitcast %sub3A_546 : vector<16xi32> to vector<16xi32>
        %min3A_548 = arith.constant 32768 : i32
        %min3A_549 = vector.broadcast %min3A_548 : i32 to vector<16xi32>
        %min3A_550 = arith.minui %bitcast3A_547, %min3A_549 : vector<16xi32>
        %bitcast3A_551 = vector.bitcast %min3A_550 : vector<16xi32> to vector<16xi32>
        tpu.vector_store_idx %arg6[%bitcast3A_551], %get3A_544 : memref<32784xf32, #tpu.memory_space<vmem>>[vector<16xi32>], vector<16xf32>,
        %mul3A_552 = arith.constant 25 : i32
        %mul3A_553 = arith.muli %scan3A_98, %mul3A_552 : i32
        %add3A_554 = arith.constant 24 : i32
        %add3A_555 = arith.addi %mul3A_553, %add3A_554 : i32
        %mul3A_556 = arith.constant 16 : i32
        %mul3A_557 = arith.muli %add3A_555, %mul3A_556 : i32
        %get3A_558 = arith.index_cast %mul3A_557 : i32 to index
        %get3A_559 = tpu.vector_load %arg7[%get3A_558] {strides = array<i32>} : memref<10000xi32, #tpu.memory_space<vmem>>, vector<16xi32>,
        %mul3A_560 = arith.constant 16 : i32
        %mul3A_561 = arith.muli %add3A_555, %mul3A_560 : i32
        %get3A_562 = arith.index_cast %mul3A_561 : i32 to index
        %get3A_563 = tpu.vector_load %arg8[%get3A_562] {strides = array<i32>} : memref<10000xf32, #tpu.memory_space<vmem>>, vector<16xf32>,
        %sub3A_564 = vector.broadcast %mul3A_2 : i32 to vector<16xi32>
        %sub3A_565 = arith.subi %get3A_559, %sub3A_564 : vector<16xi32>
        %bitcast3A_566 = vector.bitcast %sub3A_565 : vector<16xi32> to vector<16xi32>
        %min3A_567 = arith.constant 32768 : i32
        %min3A_568 = vector.broadcast %min3A_567 : i32 to vector<16xi32>
        %min3A_569 = arith.minui %bitcast3A_566, %min3A_568 : vector<16xi32>
        %bitcast3A_570 = vector.bitcast %min3A_569 : vector<16xi32> to vector<16xi32>
        tpu.vector_store_idx %arg6[%bitcast3A_570], %get3A_563 : memref<32784xf32, #tpu.memory_space<vmem>>[vector<16xi32>], vector<16xf32>,
        %scan3A_571 = arith.constant 0 : i32
        scf.yield %scan3A_571 : i32
      }
      %scan3A_70 = arith.constant 25 : i32
      %mul3A_71 = arith.constant 2 : i32
      %mul3A_72 = arith.muli %scan3A_44, %mul3A_71 : i32
      %add3A_73 = arith.constant 1 : i32
      %add3A_74 = arith.addi %mul3A_72, %add3A_73 : i32
      %add3A_75 = arith.constant 1 : i32
      %add3A_76 = arith.addi %add3A_74, %add3A_75 : i32
      %lt3A_77 = arith.constant 50 : i32
      %lt3A_78 = arith.cmpi slt, %add3A_76, %lt3A_77 : i32
      %convert_element_type3A_79 = arith.extui %lt3A_78 : i1 to i32
      %cond3A_80 = arith.constant 0 : i32
      %cond3A_81 = arith.cmpi ne, %convert_element_type3A_79, %cond3A_80 : i32
      scf.if %cond3A_81 {
        %add3A_98 = arith.constant 1 : i32
        %add3A_99 = arith.addi %add3A_74, %add3A_98 : i32
        %mul3A_100 = arith.constant 10000 : i32
        %mul3A_101 = arith.muli %add3A_99, %mul3A_100 : i32
        %dma_start3A_102 = tpu.memref_slice %arg2[%mul3A_101] : memref<500000xi32, #tpu.memory_space<hbm>> -> memref<10000xi32, #tpu.memory_space<hbm>>
        %dma_start3A_103 = tpu.memref_slice %arg2[%mul3A_101] : memref<500000xi32, #tpu.memory_space<hbm>> -> memref<10000xi32, #tpu.memory_space<hbm>>
        tpu.enqueue_dma source(%dma_start3A_103 : memref<10000xi32, #tpu.memory_space<hbm>>) target(%arg7 : memref<10000xi32, #tpu.memory_space<vmem>>) target_semaphore(%arg16 : memref<!tpu.dma_semaphore, #tpu.memory_space<semaphore_mem>>)
        %mul3A_104 = arith.constant 10000 : i32
        %mul3A_105 = arith.muli %add3A_99, %mul3A_104 : i32
        %dma_start3A_106 = tpu.memref_slice %arg3[%mul3A_105] : memref<500000xf32, #tpu.memory_space<hbm>> -> memref<10000xf32, #tpu.memory_space<hbm>>
        %dma_start3A_107 = tpu.memref_slice %arg3[%mul3A_105] : memref<500000xf32, #tpu.memory_space<hbm>> -> memref<10000xf32, #tpu.memory_space<hbm>>
        tpu.enqueue_dma source(%dma_start3A_107 : memref<10000xf32, #tpu.memory_space<hbm>>) target(%arg8 : memref<10000xf32, #tpu.memory_space<vmem>>) target_semaphore(%arg16 : memref<!tpu.dma_semaphore, #tpu.memory_space<semaphore_mem>>)
      } else {
      }
      %dma_wait3A_82 = arith.constant 0 : i32
      %dma_wait3A_83 = tpu.memref_slice %arg2[%dma_wait3A_82] : memref<500000xi32, #tpu.memory_space<hbm>> -> memref<10000xi32, #tpu.memory_space<hbm>>
      %dma_wait3A_84 = arith.constant 0 : i32
      %dma_wait3A_85 = tpu.memref_slice %arg2[%dma_wait3A_84] : memref<500000xi32, #tpu.memory_space<hbm>> -> memref<10000xi32, #tpu.memory_space<hbm>>
      tpu.wait_dma2 semaphore(%arg17 : memref<!tpu.dma_semaphore, #tpu.memory_space<semaphore_mem>>) src(%dma_wait3A_85 : memref<10000xi32, #tpu.memory_space<hbm>>) dst(%arg9 : memref<10000xi32, #tpu.memory_space<vmem>>)
      %dma_wait3A_86 = arith.constant 0 : i32
      %dma_wait3A_87 = tpu.memref_slice %arg3[%dma_wait3A_86] : memref<500000xf32, #tpu.memory_space<hbm>> -> memref<10000xf32, #tpu.memory_space<hbm>>
      %dma_wait3A_88 = arith.constant 0 : i32
      %dma_wait3A_89 = tpu.memref_slice %arg3[%dma_wait3A_88] : memref<500000xf32, #tpu.memory_space<hbm>> -> memref<10000xf32, #tpu.memory_space<hbm>>
      tpu.wait_dma2 semaphore(%arg17 : memref<!tpu.dma_semaphore, #tpu.memory_space<semaphore_mem>>) src(%dma_wait3A_89 : memref<10000xf32, #tpu.memory_space<hbm>>) dst(%arg10 : memref<10000xf32, #tpu.memory_space<vmem>>)
      %scan3A_90 = arith.constant 0 : i32
      %scan3A_91 = arith.constant 0 : i32
      %scan3A_92 = arith.constant 25 : i32
      %scan3A_93 = arith.addi %scan3A_91, %scan3A_92 : i32
      %scan3A_94 = arith.constant 1 : i32
      %scan3A_95 = scf.for %scan3A_98 = %scan3A_91 to %scan3A_93 step %scan3A_94 iter_args(%scan3A_99 = %scan3A_90) -> (i32)  : i32 {
        %mul3A_100 = arith.constant 25 : i32
        %mul3A_101 = arith.muli %scan3A_98, %mul3A_100 : i32
        %add3A_102 = arith.constant 0 : i32
        %add3A_103 = arith.addi %mul3A_101, %add3A_102 : i32
        %mul3A_104 = arith.constant 16 : i32
        %mul3A_105 = arith.muli %add3A_103, %mul3A_104 : i32
        %get3A = arith.index_cast %mul3A_105 : i32 to index
        %get3A_106 = tpu.vector_load %arg9[%get3A] {strides = array<i32>} : memref<10000xi32, #tpu.memory_space<vmem>>, vector<16xi32>,
        %mul3A_107 = arith.constant 16 : i32
        %mul3A_108 = arith.muli %add3A_103, %mul3A_107 : i32
        %get3A_109 = arith.index_cast %mul3A_108 : i32 to index
        %get3A_110 = tpu.vector_load %arg10[%get3A_109] {strides = array<i32>} : memref<10000xf32, #tpu.memory_space<vmem>>, vector<16xf32>,
        %sub3A = vector.broadcast %mul3A_2 : i32 to vector<16xi32>
        %sub3A_111 = arith.subi %get3A_106, %sub3A : vector<16xi32>
        %bitcast3A = vector.bitcast %sub3A_111 : vector<16xi32> to vector<16xi32>
        %min3A = arith.constant 32768 : i32
        %min3A_112 = vector.broadcast %min3A : i32 to vector<16xi32>
        %min3A_113 = arith.minui %bitcast3A, %min3A_112 : vector<16xi32>
        %bitcast3A_114 = vector.bitcast %min3A_113 : vector<16xi32> to vector<16xi32>
        tpu.vector_store_idx %arg6[%bitcast3A_114], %get3A_110 : memref<32784xf32, #tpu.memory_space<vmem>>[vector<16xi32>], vector<16xf32>,
        %mul3A_115 = arith.constant 25 : i32
        %mul3A_116 = arith.muli %scan3A_98, %mul3A_115 : i32
        %add3A_117 = arith.constant 1 : i32
        %add3A_118 = arith.addi %mul3A_116, %add3A_117 : i32
        %mul3A_119 = arith.constant 16 : i32
        %mul3A_120 = arith.muli %add3A_118, %mul3A_119 : i32
        %get3A_121 = arith.index_cast %mul3A_120 : i32 to index
        %get3A_122 = tpu.vector_load %arg9[%get3A_121] {strides = array<i32>} : memref<10000xi32, #tpu.memory_space<vmem>>, vector<16xi32>,
        %mul3A_123 = arith.constant 16 : i32
        %mul3A_124 = arith.muli %add3A_118, %mul3A_123 : i32
        %get3A_125 = arith.index_cast %mul3A_124 : i32 to index
        %get3A_126 = tpu.vector_load %arg10[%get3A_125] {strides = array<i32>} : memref<10000xf32, #tpu.memory_space<vmem>>, vector<16xf32>,
        %sub3A_127 = vector.broadcast %mul3A_2 : i32 to vector<16xi32>
        %sub3A_128 = arith.subi %get3A_122, %sub3A_127 : vector<16xi32>
        %bitcast3A_129 = vector.bitcast %sub3A_128 : vector<16xi32> to vector<16xi32>
        %min3A_130 = arith.constant 32768 : i32
        %min3A_131 = vector.broadcast %min3A_130 : i32 to vector<16xi32>
        %min3A_132 = arith.minui %bitcast3A_129, %min3A_131 : vector<16xi32>
        %bitcast3A_133 = vector.bitcast %min3A_132 : vector<16xi32> to vector<16xi32>
        tpu.vector_store_idx %arg6[%bitcast3A_133], %get3A_126 : memref<32784xf32, #tpu.memory_space<vmem>>[vector<16xi32>], vector<16xf32>,
        %mul3A_134 = arith.constant 25 : i32
        %mul3A_135 = arith.muli %scan3A_98, %mul3A_134 : i32
        %add3A_136 = arith.constant 2 : i32
        %add3A_137 = arith.addi %mul3A_135, %add3A_136 : i32
        %mul3A_138 = arith.constant 16 : i32
        %mul3A_139 = arith.muli %add3A_137, %mul3A_138 : i32
        %get3A_140 = arith.index_cast %mul3A_139 : i32 to index
        %get3A_141 = tpu.vector_load %arg9[%get3A_140] {strides = array<i32>} : memref<10000xi32, #tpu.memory_space<vmem>>, vector<16xi32>,
        %mul3A_142 = arith.constant 16 : i32
        %mul3A_143 = arith.muli %add3A_137, %mul3A_142 : i32
        %get3A_144 = arith.index_cast %mul3A_143 : i32 to index
        %get3A_145 = tpu.vector_load %arg10[%get3A_144] {strides = array<i32>} : memref<10000xf32, #tpu.memory_space<vmem>>, vector<16xf32>,
        %sub3A_146 = vector.broadcast %mul3A_2 : i32 to vector<16xi32>
        %sub3A_147 = arith.subi %get3A_141, %sub3A_146 : vector<16xi32>
        %bitcast3A_148 = vector.bitcast %sub3A_147 : vector<16xi32> to vector<16xi32>
        %min3A_149 = arith.constant 32768 : i32
        %min3A_150 = vector.broadcast %min3A_149 : i32 to vector<16xi32>
        %min3A_151 = arith.minui %bitcast3A_148, %min3A_150 : vector<16xi32>
        %bitcast3A_152 = vector.bitcast %min3A_151 : vector<16xi32> to vector<16xi32>
        tpu.vector_store_idx %arg6[%bitcast3A_152], %get3A_145 : memref<32784xf32, #tpu.memory_space<vmem>>[vector<16xi32>], vector<16xf32>,
        %mul3A_153 = arith.constant 25 : i32
        %mul3A_154 = arith.muli %scan3A_98, %mul3A_153 : i32
        %add3A_155 = arith.constant 3 : i32
        %add3A_156 = arith.addi %mul3A_154, %add3A_155 : i32
        %mul3A_157 = arith.constant 16 : i32
        %mul3A_158 = arith.muli %add3A_156, %mul3A_157 : i32
        %get3A_159 = arith.index_cast %mul3A_158 : i32 to index
        %get3A_160 = tpu.vector_load %arg9[%get3A_159] {strides = array<i32>} : memref<10000xi32, #tpu.memory_space<vmem>>, vector<16xi32>,
        %mul3A_161 = arith.constant 16 : i32
        %mul3A_162 = arith.muli %add3A_156, %mul3A_161 : i32
        %get3A_163 = arith.index_cast %mul3A_162 : i32 to index
        %get3A_164 = tpu.vector_load %arg10[%get3A_163] {strides = array<i32>} : memref<10000xf32, #tpu.memory_space<vmem>>, vector<16xf32>,
        %sub3A_165 = vector.broadcast %mul3A_2 : i32 to vector<16xi32>
        %sub3A_166 = arith.subi %get3A_160, %sub3A_165 : vector<16xi32>
        %bitcast3A_167 = vector.bitcast %sub3A_166 : vector<16xi32> to vector<16xi32>
        %min3A_168 = arith.constant 32768 : i32
        %min3A_169 = vector.broadcast %min3A_168 : i32 to vector<16xi32>
        %min3A_170 = arith.minui %bitcast3A_167, %min3A_169 : vector<16xi32>
        %bitcast3A_171 = vector.bitcast %min3A_170 : vector<16xi32> to vector<16xi32>
        tpu.vector_store_idx %arg6[%bitcast3A_171], %get3A_164 : memref<32784xf32, #tpu.memory_space<vmem>>[vector<16xi32>], vector<16xf32>,
        %mul3A_172 = arith.constant 25 : i32
        %mul3A_173 = arith.muli %scan3A_98, %mul3A_172 : i32
        %add3A_174 = arith.constant 4 : i32
        %add3A_175 = arith.addi %mul3A_173, %add3A_174 : i32
        %mul3A_176 = arith.constant 16 : i32
        %mul3A_177 = arith.muli %add3A_175, %mul3A_176 : i32
        %get3A_178 = arith.index_cast %mul3A_177 : i32 to index
        %get3A_179 = tpu.vector_load %arg9[%get3A_178] {strides = array<i32>} : memref<10000xi32, #tpu.memory_space<vmem>>, vector<16xi32>,
        %mul3A_180 = arith.constant 16 : i32
        %mul3A_181 = arith.muli %add3A_175, %mul3A_180 : i32
        %get3A_182 = arith.index_cast %mul3A_181 : i32 to index
        %get3A_183 = tpu.vector_load %arg10[%get3A_182] {strides = array<i32>} : memref<10000xf32, #tpu.memory_space<vmem>>, vector<16xf32>,
        %sub3A_184 = vector.broadcast %mul3A_2 : i32 to vector<16xi32>
        %sub3A_185 = arith.subi %get3A_179, %sub3A_184 : vector<16xi32>
        %bitcast3A_186 = vector.bitcast %sub3A_185 : vector<16xi32> to vector<16xi32>
        %min3A_187 = arith.constant 32768 : i32
        %min3A_188 = vector.broadcast %min3A_187 : i32 to vector<16xi32>
        %min3A_189 = arith.minui %bitcast3A_186, %min3A_188 : vector<16xi32>
        %bitcast3A_190 = vector.bitcast %min3A_189 : vector<16xi32> to vector<16xi32>
        tpu.vector_store_idx %arg6[%bitcast3A_190], %get3A_183 : memref<32784xf32, #tpu.memory_space<vmem>>[vector<16xi32>], vector<16xf32>,
        %mul3A_191 = arith.constant 25 : i32
        %mul3A_192 = arith.muli %scan3A_98, %mul3A_191 : i32
        %add3A_193 = arith.constant 5 : i32
        %add3A_194 = arith.addi %mul3A_192, %add3A_193 : i32
        %mul3A_195 = arith.constant 16 : i32
        %mul3A_196 = arith.muli %add3A_194, %mul3A_195 : i32
        %get3A_197 = arith.index_cast %mul3A_196 : i32 to index
        %get3A_198 = tpu.vector_load %arg9[%get3A_197] {strides = array<i32>} : memref<10000xi32, #tpu.memory_space<vmem>>, vector<16xi32>,
        %mul3A_199 = arith.constant 16 : i32
        %mul3A_200 = arith.muli %add3A_194, %mul3A_199 : i32
        %get3A_201 = arith.index_cast %mul3A_200 : i32 to index
        %get3A_202 = tpu.vector_load %arg10[%get3A_201] {strides = array<i32>} : memref<10000xf32, #tpu.memory_space<vmem>>, vector<16xf32>,
        %sub3A_203 = vector.broadcast %mul3A_2 : i32 to vector<16xi32>
        %sub3A_204 = arith.subi %get3A_198, %sub3A_203 : vector<16xi32>
        %bitcast3A_205 = vector.bitcast %sub3A_204 : vector<16xi32> to vector<16xi32>
        %min3A_206 = arith.constant 32768 : i32
        %min3A_207 = vector.broadcast %min3A_206 : i32 to vector<16xi32>
        %min3A_208 = arith.minui %bitcast3A_205, %min3A_207 : vector<16xi32>
        %bitcast3A_209 = vector.bitcast %min3A_208 : vector<16xi32> to vector<16xi32>
        tpu.vector_store_idx %arg6[%bitcast3A_209], %get3A_202 : memref<32784xf32, #tpu.memory_space<vmem>>[vector<16xi32>], vector<16xf32>,
        %mul3A_210 = arith.constant 25 : i32
        %mul3A_211 = arith.muli %scan3A_98, %mul3A_210 : i32
        %add3A_212 = arith.constant 6 : i32
        %add3A_213 = arith.addi %mul3A_211, %add3A_212 : i32
        %mul3A_214 = arith.constant 16 : i32
        %mul3A_215 = arith.muli %add3A_213, %mul3A_214 : i32
        %get3A_216 = arith.index_cast %mul3A_215 : i32 to index
        %get3A_217 = tpu.vector_load %arg9[%get3A_216] {strides = array<i32>} : memref<10000xi32, #tpu.memory_space<vmem>>, vector<16xi32>,
        %mul3A_218 = arith.constant 16 : i32
        %mul3A_219 = arith.muli %add3A_213, %mul3A_218 : i32
        %get3A_220 = arith.index_cast %mul3A_219 : i32 to index
        %get3A_221 = tpu.vector_load %arg10[%get3A_220] {strides = array<i32>} : memref<10000xf32, #tpu.memory_space<vmem>>, vector<16xf32>,
        %sub3A_222 = vector.broadcast %mul3A_2 : i32 to vector<16xi32>
        %sub3A_223 = arith.subi %get3A_217, %sub3A_222 : vector<16xi32>
        %bitcast3A_224 = vector.bitcast %sub3A_223 : vector<16xi32> to vector<16xi32>
        %min3A_225 = arith.constant 32768 : i32
        %min3A_226 = vector.broadcast %min3A_225 : i32 to vector<16xi32>
        %min3A_227 = arith.minui %bitcast3A_224, %min3A_226 : vector<16xi32>
        %bitcast3A_228 = vector.bitcast %min3A_227 : vector<16xi32> to vector<16xi32>
        tpu.vector_store_idx %arg6[%bitcast3A_228], %get3A_221 : memref<32784xf32, #tpu.memory_space<vmem>>[vector<16xi32>], vector<16xf32>,
        %mul3A_229 = arith.constant 25 : i32
        %mul3A_230 = arith.muli %scan3A_98, %mul3A_229 : i32
        %add3A_231 = arith.constant 7 : i32
        %add3A_232 = arith.addi %mul3A_230, %add3A_231 : i32
        %mul3A_233 = arith.constant 16 : i32
        %mul3A_234 = arith.muli %add3A_232, %mul3A_233 : i32
        %get3A_235 = arith.index_cast %mul3A_234 : i32 to index
        %get3A_236 = tpu.vector_load %arg9[%get3A_235] {strides = array<i32>} : memref<10000xi32, #tpu.memory_space<vmem>>, vector<16xi32>,
        %mul3A_237 = arith.constant 16 : i32
        %mul3A_238 = arith.muli %add3A_232, %mul3A_237 : i32
        %get3A_239 = arith.index_cast %mul3A_238 : i32 to index
        %get3A_240 = tpu.vector_load %arg10[%get3A_239] {strides = array<i32>} : memref<10000xf32, #tpu.memory_space<vmem>>, vector<16xf32>,
        %sub3A_241 = vector.broadcast %mul3A_2 : i32 to vector<16xi32>
        %sub3A_242 = arith.subi %get3A_236, %sub3A_241 : vector<16xi32>
        %bitcast3A_243 = vector.bitcast %sub3A_242 : vector<16xi32> to vector<16xi32>
        %min3A_244 = arith.constant 32768 : i32
        %min3A_245 = vector.broadcast %min3A_244 : i32 to vector<16xi32>
        %min3A_246 = arith.minui %bitcast3A_243, %min3A_245 : vector<16xi32>
        %bitcast3A_247 = vector.bitcast %min3A_246 : vector<16xi32> to vector<16xi32>
        tpu.vector_store_idx %arg6[%bitcast3A_247], %get3A_240 : memref<32784xf32, #tpu.memory_space<vmem>>[vector<16xi32>], vector<16xf32>,
        %mul3A_248 = arith.constant 25 : i32
        %mul3A_249 = arith.muli %scan3A_98, %mul3A_248 : i32
        %add3A_250 = arith.constant 8 : i32
        %add3A_251 = arith.addi %mul3A_249, %add3A_250 : i32
        %mul3A_252 = arith.constant 16 : i32
        %mul3A_253 = arith.muli %add3A_251, %mul3A_252 : i32
        %get3A_254 = arith.index_cast %mul3A_253 : i32 to index
        %get3A_255 = tpu.vector_load %arg9[%get3A_254] {strides = array<i32>} : memref<10000xi32, #tpu.memory_space<vmem>>, vector<16xi32>,
        %mul3A_256 = arith.constant 16 : i32
        %mul3A_257 = arith.muli %add3A_251, %mul3A_256 : i32
        %get3A_258 = arith.index_cast %mul3A_257 : i32 to index
        %get3A_259 = tpu.vector_load %arg10[%get3A_258] {strides = array<i32>} : memref<10000xf32, #tpu.memory_space<vmem>>, vector<16xf32>,
        %sub3A_260 = vector.broadcast %mul3A_2 : i32 to vector<16xi32>
        %sub3A_261 = arith.subi %get3A_255, %sub3A_260 : vector<16xi32>
        %bitcast3A_262 = vector.bitcast %sub3A_261 : vector<16xi32> to vector<16xi32>
        %min3A_263 = arith.constant 32768 : i32
        %min3A_264 = vector.broadcast %min3A_263 : i32 to vector<16xi32>
        %min3A_265 = arith.minui %bitcast3A_262, %min3A_264 : vector<16xi32>
        %bitcast3A_266 = vector.bitcast %min3A_265 : vector<16xi32> to vector<16xi32>
        tpu.vector_store_idx %arg6[%bitcast3A_266], %get3A_259 : memref<32784xf32, #tpu.memory_space<vmem>>[vector<16xi32>], vector<16xf32>,
        %mul3A_267 = arith.constant 25 : i32
        %mul3A_268 = arith.muli %scan3A_98, %mul3A_267 : i32
        %add3A_269 = arith.constant 9 : i32
        %add3A_270 = arith.addi %mul3A_268, %add3A_269 : i32
        %mul3A_271 = arith.constant 16 : i32
        %mul3A_272 = arith.muli %add3A_270, %mul3A_271 : i32
        %get3A_273 = arith.index_cast %mul3A_272 : i32 to index
        %get3A_274 = tpu.vector_load %arg9[%get3A_273] {strides = array<i32>} : memref<10000xi32, #tpu.memory_space<vmem>>, vector<16xi32>,
        %mul3A_275 = arith.constant 16 : i32
        %mul3A_276 = arith.muli %add3A_270, %mul3A_275 : i32
        %get3A_277 = arith.index_cast %mul3A_276 : i32 to index
        %get3A_278 = tpu.vector_load %arg10[%get3A_277] {strides = array<i32>} : memref<10000xf32, #tpu.memory_space<vmem>>, vector<16xf32>,
        %sub3A_279 = vector.broadcast %mul3A_2 : i32 to vector<16xi32>
        %sub3A_280 = arith.subi %get3A_274, %sub3A_279 : vector<16xi32>
        %bitcast3A_281 = vector.bitcast %sub3A_280 : vector<16xi32> to vector<16xi32>
        %min3A_282 = arith.constant 32768 : i32
        %min3A_283 = vector.broadcast %min3A_282 : i32 to vector<16xi32>
        %min3A_284 = arith.minui %bitcast3A_281, %min3A_283 : vector<16xi32>
        %bitcast3A_285 = vector.bitcast %min3A_284 : vector<16xi32> to vector<16xi32>
        tpu.vector_store_idx %arg6[%bitcast3A_285], %get3A_278 : memref<32784xf32, #tpu.memory_space<vmem>>[vector<16xi32>], vector<16xf32>,
        %mul3A_286 = arith.constant 25 : i32
        %mul3A_287 = arith.muli %scan3A_98, %mul3A_286 : i32
        %add3A_288 = arith.constant 10 : i32
        %add3A_289 = arith.addi %mul3A_287, %add3A_288 : i32
        %mul3A_290 = arith.constant 16 : i32
        %mul3A_291 = arith.muli %add3A_289, %mul3A_290 : i32
        %get3A_292 = arith.index_cast %mul3A_291 : i32 to index
        %get3A_293 = tpu.vector_load %arg9[%get3A_292] {strides = array<i32>} : memref<10000xi32, #tpu.memory_space<vmem>>, vector<16xi32>,
        %mul3A_294 = arith.constant 16 : i32
        %mul3A_295 = arith.muli %add3A_289, %mul3A_294 : i32
        %get3A_296 = arith.index_cast %mul3A_295 : i32 to index
        %get3A_297 = tpu.vector_load %arg10[%get3A_296] {strides = array<i32>} : memref<10000xf32, #tpu.memory_space<vmem>>, vector<16xf32>,
        %sub3A_298 = vector.broadcast %mul3A_2 : i32 to vector<16xi32>
        %sub3A_299 = arith.subi %get3A_293, %sub3A_298 : vector<16xi32>
        %bitcast3A_300 = vector.bitcast %sub3A_299 : vector<16xi32> to vector<16xi32>
        %min3A_301 = arith.constant 32768 : i32
        %min3A_302 = vector.broadcast %min3A_301 : i32 to vector<16xi32>
        %min3A_303 = arith.minui %bitcast3A_300, %min3A_302 : vector<16xi32>
        %bitcast3A_304 = vector.bitcast %min3A_303 : vector<16xi32> to vector<16xi32>
        tpu.vector_store_idx %arg6[%bitcast3A_304], %get3A_297 : memref<32784xf32, #tpu.memory_space<vmem>>[vector<16xi32>], vector<16xf32>,
        %mul3A_305 = arith.constant 25 : i32
        %mul3A_306 = arith.muli %scan3A_98, %mul3A_305 : i32
        %add3A_307 = arith.constant 11 : i32
        %add3A_308 = arith.addi %mul3A_306, %add3A_307 : i32
        %mul3A_309 = arith.constant 16 : i32
        %mul3A_310 = arith.muli %add3A_308, %mul3A_309 : i32
        %get3A_311 = arith.index_cast %mul3A_310 : i32 to index
        %get3A_312 = tpu.vector_load %arg9[%get3A_311] {strides = array<i32>} : memref<10000xi32, #tpu.memory_space<vmem>>, vector<16xi32>,
        %mul3A_313 = arith.constant 16 : i32
        %mul3A_314 = arith.muli %add3A_308, %mul3A_313 : i32
        %get3A_315 = arith.index_cast %mul3A_314 : i32 to index
        %get3A_316 = tpu.vector_load %arg10[%get3A_315] {strides = array<i32>} : memref<10000xf32, #tpu.memory_space<vmem>>, vector<16xf32>,
        %sub3A_317 = vector.broadcast %mul3A_2 : i32 to vector<16xi32>
        %sub3A_318 = arith.subi %get3A_312, %sub3A_317 : vector<16xi32>
        %bitcast3A_319 = vector.bitcast %sub3A_318 : vector<16xi32> to vector<16xi32>
        %min3A_320 = arith.constant 32768 : i32
        %min3A_321 = vector.broadcast %min3A_320 : i32 to vector<16xi32>
        %min3A_322 = arith.minui %bitcast3A_319, %min3A_321 : vector<16xi32>
        %bitcast3A_323 = vector.bitcast %min3A_322 : vector<16xi32> to vector<16xi32>
        tpu.vector_store_idx %arg6[%bitcast3A_323], %get3A_316 : memref<32784xf32, #tpu.memory_space<vmem>>[vector<16xi32>], vector<16xf32>,
        %mul3A_324 = arith.constant 25 : i32
        %mul3A_325 = arith.muli %scan3A_98, %mul3A_324 : i32
        %add3A_326 = arith.constant 12 : i32
        %add3A_327 = arith.addi %mul3A_325, %add3A_326 : i32
        %mul3A_328 = arith.constant 16 : i32
        %mul3A_329 = arith.muli %add3A_327, %mul3A_328 : i32
        %get3A_330 = arith.index_cast %mul3A_329 : i32 to index
        %get3A_331 = tpu.vector_load %arg9[%get3A_330] {strides = array<i32>} : memref<10000xi32, #tpu.memory_space<vmem>>, vector<16xi32>,
        %mul3A_332 = arith.constant 16 : i32
        %mul3A_333 = arith.muli %add3A_327, %mul3A_332 : i32
        %get3A_334 = arith.index_cast %mul3A_333 : i32 to index
        %get3A_335 = tpu.vector_load %arg10[%get3A_334] {strides = array<i32>} : memref<10000xf32, #tpu.memory_space<vmem>>, vector<16xf32>,
        %sub3A_336 = vector.broadcast %mul3A_2 : i32 to vector<16xi32>
        %sub3A_337 = arith.subi %get3A_331, %sub3A_336 : vector<16xi32>
        %bitcast3A_338 = vector.bitcast %sub3A_337 : vector<16xi32> to vector<16xi32>
        %min3A_339 = arith.constant 32768 : i32
        %min3A_340 = vector.broadcast %min3A_339 : i32 to vector<16xi32>
        %min3A_341 = arith.minui %bitcast3A_338, %min3A_340 : vector<16xi32>
        %bitcast3A_342 = vector.bitcast %min3A_341 : vector<16xi32> to vector<16xi32>
        tpu.vector_store_idx %arg6[%bitcast3A_342], %get3A_335 : memref<32784xf32, #tpu.memory_space<vmem>>[vector<16xi32>], vector<16xf32>,
        %mul3A_343 = arith.constant 25 : i32
        %mul3A_344 = arith.muli %scan3A_98, %mul3A_343 : i32
        %add3A_345 = arith.constant 13 : i32
        %add3A_346 = arith.addi %mul3A_344, %add3A_345 : i32
        %mul3A_347 = arith.constant 16 : i32
        %mul3A_348 = arith.muli %add3A_346, %mul3A_347 : i32
        %get3A_349 = arith.index_cast %mul3A_348 : i32 to index
        %get3A_350 = tpu.vector_load %arg9[%get3A_349] {strides = array<i32>} : memref<10000xi32, #tpu.memory_space<vmem>>, vector<16xi32>,
        %mul3A_351 = arith.constant 16 : i32
        %mul3A_352 = arith.muli %add3A_346, %mul3A_351 : i32
        %get3A_353 = arith.index_cast %mul3A_352 : i32 to index
        %get3A_354 = tpu.vector_load %arg10[%get3A_353] {strides = array<i32>} : memref<10000xf32, #tpu.memory_space<vmem>>, vector<16xf32>,
        %sub3A_355 = vector.broadcast %mul3A_2 : i32 to vector<16xi32>
        %sub3A_356 = arith.subi %get3A_350, %sub3A_355 : vector<16xi32>
        %bitcast3A_357 = vector.bitcast %sub3A_356 : vector<16xi32> to vector<16xi32>
        %min3A_358 = arith.constant 32768 : i32
        %min3A_359 = vector.broadcast %min3A_358 : i32 to vector<16xi32>
        %min3A_360 = arith.minui %bitcast3A_357, %min3A_359 : vector<16xi32>
        %bitcast3A_361 = vector.bitcast %min3A_360 : vector<16xi32> to vector<16xi32>
        tpu.vector_store_idx %arg6[%bitcast3A_361], %get3A_354 : memref<32784xf32, #tpu.memory_space<vmem>>[vector<16xi32>], vector<16xf32>,
        %mul3A_362 = arith.constant 25 : i32
        %mul3A_363 = arith.muli %scan3A_98, %mul3A_362 : i32
        %add3A_364 = arith.constant 14 : i32
        %add3A_365 = arith.addi %mul3A_363, %add3A_364 : i32
        %mul3A_366 = arith.constant 16 : i32
        %mul3A_367 = arith.muli %add3A_365, %mul3A_366 : i32
        %get3A_368 = arith.index_cast %mul3A_367 : i32 to index
        %get3A_369 = tpu.vector_load %arg9[%get3A_368] {strides = array<i32>} : memref<10000xi32, #tpu.memory_space<vmem>>, vector<16xi32>,
        %mul3A_370 = arith.constant 16 : i32
        %mul3A_371 = arith.muli %add3A_365, %mul3A_370 : i32
        %get3A_372 = arith.index_cast %mul3A_371 : i32 to index
        %get3A_373 = tpu.vector_load %arg10[%get3A_372] {strides = array<i32>} : memref<10000xf32, #tpu.memory_space<vmem>>, vector<16xf32>,
        %sub3A_374 = vector.broadcast %mul3A_2 : i32 to vector<16xi32>
        %sub3A_375 = arith.subi %get3A_369, %sub3A_374 : vector<16xi32>
        %bitcast3A_376 = vector.bitcast %sub3A_375 : vector<16xi32> to vector<16xi32>
        %min3A_377 = arith.constant 32768 : i32
        %min3A_378 = vector.broadcast %min3A_377 : i32 to vector<16xi32>
        %min3A_379 = arith.minui %bitcast3A_376, %min3A_378 : vector<16xi32>
        %bitcast3A_380 = vector.bitcast %min3A_379 : vector<16xi32> to vector<16xi32>
        tpu.vector_store_idx %arg6[%bitcast3A_380], %get3A_373 : memref<32784xf32, #tpu.memory_space<vmem>>[vector<16xi32>], vector<16xf32>,
        %mul3A_381 = arith.constant 25 : i32
        %mul3A_382 = arith.muli %scan3A_98, %mul3A_381 : i32
        %add3A_383 = arith.constant 15 : i32
        %add3A_384 = arith.addi %mul3A_382, %add3A_383 : i32
        %mul3A_385 = arith.constant 16 : i32
        %mul3A_386 = arith.muli %add3A_384, %mul3A_385 : i32
        %get3A_387 = arith.index_cast %mul3A_386 : i32 to index
        %get3A_388 = tpu.vector_load %arg9[%get3A_387] {strides = array<i32>} : memref<10000xi32, #tpu.memory_space<vmem>>, vector<16xi32>,
        %mul3A_389 = arith.constant 16 : i32
        %mul3A_390 = arith.muli %add3A_384, %mul3A_389 : i32
        %get3A_391 = arith.index_cast %mul3A_390 : i32 to index
        %get3A_392 = tpu.vector_load %arg10[%get3A_391] {strides = array<i32>} : memref<10000xf32, #tpu.memory_space<vmem>>, vector<16xf32>,
        %sub3A_393 = vector.broadcast %mul3A_2 : i32 to vector<16xi32>
        %sub3A_394 = arith.subi %get3A_388, %sub3A_393 : vector<16xi32>
        %bitcast3A_395 = vector.bitcast %sub3A_394 : vector<16xi32> to vector<16xi32>
        %min3A_396 = arith.constant 32768 : i32
        %min3A_397 = vector.broadcast %min3A_396 : i32 to vector<16xi32>
        %min3A_398 = arith.minui %bitcast3A_395, %min3A_397 : vector<16xi32>
        %bitcast3A_399 = vector.bitcast %min3A_398 : vector<16xi32> to vector<16xi32>
        tpu.vector_store_idx %arg6[%bitcast3A_399], %get3A_392 : memref<32784xf32, #tpu.memory_space<vmem>>[vector<16xi32>], vector<16xf32>,
        %mul3A_400 = arith.constant 25 : i32
        %mul3A_401 = arith.muli %scan3A_98, %mul3A_400 : i32
        %add3A_402 = arith.constant 16 : i32
        %add3A_403 = arith.addi %mul3A_401, %add3A_402 : i32
        %mul3A_404 = arith.constant 16 : i32
        %mul3A_405 = arith.muli %add3A_403, %mul3A_404 : i32
        %get3A_406 = arith.index_cast %mul3A_405 : i32 to index
        %get3A_407 = tpu.vector_load %arg9[%get3A_406] {strides = array<i32>} : memref<10000xi32, #tpu.memory_space<vmem>>, vector<16xi32>,
        %mul3A_408 = arith.constant 16 : i32
        %mul3A_409 = arith.muli %add3A_403, %mul3A_408 : i32
        %get3A_410 = arith.index_cast %mul3A_409 : i32 to index
        %get3A_411 = tpu.vector_load %arg10[%get3A_410] {strides = array<i32>} : memref<10000xf32, #tpu.memory_space<vmem>>, vector<16xf32>,
        %sub3A_412 = vector.broadcast %mul3A_2 : i32 to vector<16xi32>
        %sub3A_413 = arith.subi %get3A_407, %sub3A_412 : vector<16xi32>
        %bitcast3A_414 = vector.bitcast %sub3A_413 : vector<16xi32> to vector<16xi32>
        %min3A_415 = arith.constant 32768 : i32
        %min3A_416 = vector.broadcast %min3A_415 : i32 to vector<16xi32>
        %min3A_417 = arith.minui %bitcast3A_414, %min3A_416 : vector<16xi32>
        %bitcast3A_418 = vector.bitcast %min3A_417 : vector<16xi32> to vector<16xi32>
        tpu.vector_store_idx %arg6[%bitcast3A_418], %get3A_411 : memref<32784xf32, #tpu.memory_space<vmem>>[vector<16xi32>], vector<16xf32>,
        %mul3A_419 = arith.constant 25 : i32
        %mul3A_420 = arith.muli %scan3A_98, %mul3A_419 : i32
        %add3A_421 = arith.constant 17 : i32
        %add3A_422 = arith.addi %mul3A_420, %add3A_421 : i32
        %mul3A_423 = arith.constant 16 : i32
        %mul3A_424 = arith.muli %add3A_422, %mul3A_423 : i32
        %get3A_425 = arith.index_cast %mul3A_424 : i32 to index
        %get3A_426 = tpu.vector_load %arg9[%get3A_425] {strides = array<i32>} : memref<10000xi32, #tpu.memory_space<vmem>>, vector<16xi32>,
        %mul3A_427 = arith.constant 16 : i32
        %mul3A_428 = arith.muli %add3A_422, %mul3A_427 : i32
        %get3A_429 = arith.index_cast %mul3A_428 : i32 to index
        %get3A_430 = tpu.vector_load %arg10[%get3A_429] {strides = array<i32>} : memref<10000xf32, #tpu.memory_space<vmem>>, vector<16xf32>,
        %sub3A_431 = vector.broadcast %mul3A_2 : i32 to vector<16xi32>
        %sub3A_432 = arith.subi %get3A_426, %sub3A_431 : vector<16xi32>
        %bitcast3A_433 = vector.bitcast %sub3A_432 : vector<16xi32> to vector<16xi32>
        %min3A_434 = arith.constant 32768 : i32
        %min3A_435 = vector.broadcast %min3A_434 : i32 to vector<16xi32>
        %min3A_436 = arith.minui %bitcast3A_433, %min3A_435 : vector<16xi32>
        %bitcast3A_437 = vector.bitcast %min3A_436 : vector<16xi32> to vector<16xi32>
        tpu.vector_store_idx %arg6[%bitcast3A_437], %get3A_430 : memref<32784xf32, #tpu.memory_space<vmem>>[vector<16xi32>], vector<16xf32>,
        %mul3A_438 = arith.constant 25 : i32
        %mul3A_439 = arith.muli %scan3A_98, %mul3A_438 : i32
        %add3A_440 = arith.constant 18 : i32
        %add3A_441 = arith.addi %mul3A_439, %add3A_440 : i32
        %mul3A_442 = arith.constant 16 : i32
        %mul3A_443 = arith.muli %add3A_441, %mul3A_442 : i32
        %get3A_444 = arith.index_cast %mul3A_443 : i32 to index
        %get3A_445 = tpu.vector_load %arg9[%get3A_444] {strides = array<i32>} : memref<10000xi32, #tpu.memory_space<vmem>>, vector<16xi32>,
        %mul3A_446 = arith.constant 16 : i32
        %mul3A_447 = arith.muli %add3A_441, %mul3A_446 : i32
        %get3A_448 = arith.index_cast %mul3A_447 : i32 to index
        %get3A_449 = tpu.vector_load %arg10[%get3A_448] {strides = array<i32>} : memref<10000xf32, #tpu.memory_space<vmem>>, vector<16xf32>,
        %sub3A_450 = vector.broadcast %mul3A_2 : i32 to vector<16xi32>
        %sub3A_451 = arith.subi %get3A_445, %sub3A_450 : vector<16xi32>
        %bitcast3A_452 = vector.bitcast %sub3A_451 : vector<16xi32> to vector<16xi32>
        %min3A_453 = arith.constant 32768 : i32
        %min3A_454 = vector.broadcast %min3A_453 : i32 to vector<16xi32>
        %min3A_455 = arith.minui %bitcast3A_452, %min3A_454 : vector<16xi32>
        %bitcast3A_456 = vector.bitcast %min3A_455 : vector<16xi32> to vector<16xi32>
        tpu.vector_store_idx %arg6[%bitcast3A_456], %get3A_449 : memref<32784xf32, #tpu.memory_space<vmem>>[vector<16xi32>], vector<16xf32>,
        %mul3A_457 = arith.constant 25 : i32
        %mul3A_458 = arith.muli %scan3A_98, %mul3A_457 : i32
        %add3A_459 = arith.constant 19 : i32
        %add3A_460 = arith.addi %mul3A_458, %add3A_459 : i32
        %mul3A_461 = arith.constant 16 : i32
        %mul3A_462 = arith.muli %add3A_460, %mul3A_461 : i32
        %get3A_463 = arith.index_cast %mul3A_462 : i32 to index
        %get3A_464 = tpu.vector_load %arg9[%get3A_463] {strides = array<i32>} : memref<10000xi32, #tpu.memory_space<vmem>>, vector<16xi32>,
        %mul3A_465 = arith.constant 16 : i32
        %mul3A_466 = arith.muli %add3A_460, %mul3A_465 : i32
        %get3A_467 = arith.index_cast %mul3A_466 : i32 to index
        %get3A_468 = tpu.vector_load %arg10[%get3A_467] {strides = array<i32>} : memref<10000xf32, #tpu.memory_space<vmem>>, vector<16xf32>,
        %sub3A_469 = vector.broadcast %mul3A_2 : i32 to vector<16xi32>
        %sub3A_470 = arith.subi %get3A_464, %sub3A_469 : vector<16xi32>
        %bitcast3A_471 = vector.bitcast %sub3A_470 : vector<16xi32> to vector<16xi32>
        %min3A_472 = arith.constant 32768 : i32
        %min3A_473 = vector.broadcast %min3A_472 : i32 to vector<16xi32>
        %min3A_474 = arith.minui %bitcast3A_471, %min3A_473 : vector<16xi32>
        %bitcast3A_475 = vector.bitcast %min3A_474 : vector<16xi32> to vector<16xi32>
        tpu.vector_store_idx %arg6[%bitcast3A_475], %get3A_468 : memref<32784xf32, #tpu.memory_space<vmem>>[vector<16xi32>], vector<16xf32>,
        %mul3A_476 = arith.constant 25 : i32
        %mul3A_477 = arith.muli %scan3A_98, %mul3A_476 : i32
        %add3A_478 = arith.constant 20 : i32
        %add3A_479 = arith.addi %mul3A_477, %add3A_478 : i32
        %mul3A_480 = arith.constant 16 : i32
        %mul3A_481 = arith.muli %add3A_479, %mul3A_480 : i32
        %get3A_482 = arith.index_cast %mul3A_481 : i32 to index
        %get3A_483 = tpu.vector_load %arg9[%get3A_482] {strides = array<i32>} : memref<10000xi32, #tpu.memory_space<vmem>>, vector<16xi32>,
        %mul3A_484 = arith.constant 16 : i32
        %mul3A_485 = arith.muli %add3A_479, %mul3A_484 : i32
        %get3A_486 = arith.index_cast %mul3A_485 : i32 to index
        %get3A_487 = tpu.vector_load %arg10[%get3A_486] {strides = array<i32>} : memref<10000xf32, #tpu.memory_space<vmem>>, vector<16xf32>,
        %sub3A_488 = vector.broadcast %mul3A_2 : i32 to vector<16xi32>
        %sub3A_489 = arith.subi %get3A_483, %sub3A_488 : vector<16xi32>
        %bitcast3A_490 = vector.bitcast %sub3A_489 : vector<16xi32> to vector<16xi32>
        %min3A_491 = arith.constant 32768 : i32
        %min3A_492 = vector.broadcast %min3A_491 : i32 to vector<16xi32>
        %min3A_493 = arith.minui %bitcast3A_490, %min3A_492 : vector<16xi32>
        %bitcast3A_494 = vector.bitcast %min3A_493 : vector<16xi32> to vector<16xi32>
        tpu.vector_store_idx %arg6[%bitcast3A_494], %get3A_487 : memref<32784xf32, #tpu.memory_space<vmem>>[vector<16xi32>], vector<16xf32>,
        %mul3A_495 = arith.constant 25 : i32
        %mul3A_496 = arith.muli %scan3A_98, %mul3A_495 : i32
        %add3A_497 = arith.constant 21 : i32
        %add3A_498 = arith.addi %mul3A_496, %add3A_497 : i32
        %mul3A_499 = arith.constant 16 : i32
        %mul3A_500 = arith.muli %add3A_498, %mul3A_499 : i32
        %get3A_501 = arith.index_cast %mul3A_500 : i32 to index
        %get3A_502 = tpu.vector_load %arg9[%get3A_501] {strides = array<i32>} : memref<10000xi32, #tpu.memory_space<vmem>>, vector<16xi32>,
        %mul3A_503 = arith.constant 16 : i32
        %mul3A_504 = arith.muli %add3A_498, %mul3A_503 : i32
        %get3A_505 = arith.index_cast %mul3A_504 : i32 to index
        %get3A_506 = tpu.vector_load %arg10[%get3A_505] {strides = array<i32>} : memref<10000xf32, #tpu.memory_space<vmem>>, vector<16xf32>,
        %sub3A_507 = vector.broadcast %mul3A_2 : i32 to vector<16xi32>
        %sub3A_508 = arith.subi %get3A_502, %sub3A_507 : vector<16xi32>
        %bitcast3A_509 = vector.bitcast %sub3A_508 : vector<16xi32> to vector<16xi32>
        %min3A_510 = arith.constant 32768 : i32
        %min3A_511 = vector.broadcast %min3A_510 : i32 to vector<16xi32>
        %min3A_512 = arith.minui %bitcast3A_509, %min3A_511 : vector<16xi32>
        %bitcast3A_513 = vector.bitcast %min3A_512 : vector<16xi32> to vector<16xi32>
        tpu.vector_store_idx %arg6[%bitcast3A_513], %get3A_506 : memref<32784xf32, #tpu.memory_space<vmem>>[vector<16xi32>], vector<16xf32>,
        %mul3A_514 = arith.constant 25 : i32
        %mul3A_515 = arith.muli %scan3A_98, %mul3A_514 : i32
        %add3A_516 = arith.constant 22 : i32
        %add3A_517 = arith.addi %mul3A_515, %add3A_516 : i32
        %mul3A_518 = arith.constant 16 : i32
        %mul3A_519 = arith.muli %add3A_517, %mul3A_518 : i32
        %get3A_520 = arith.index_cast %mul3A_519 : i32 to index
        %get3A_521 = tpu.vector_load %arg9[%get3A_520] {strides = array<i32>} : memref<10000xi32, #tpu.memory_space<vmem>>, vector<16xi32>,
        %mul3A_522 = arith.constant 16 : i32
        %mul3A_523 = arith.muli %add3A_517, %mul3A_522 : i32
        %get3A_524 = arith.index_cast %mul3A_523 : i32 to index
        %get3A_525 = tpu.vector_load %arg10[%get3A_524] {strides = array<i32>} : memref<10000xf32, #tpu.memory_space<vmem>>, vector<16xf32>,
        %sub3A_526 = vector.broadcast %mul3A_2 : i32 to vector<16xi32>
        %sub3A_527 = arith.subi %get3A_521, %sub3A_526 : vector<16xi32>
        %bitcast3A_528 = vector.bitcast %sub3A_527 : vector<16xi32> to vector<16xi32>
        %min3A_529 = arith.constant 32768 : i32
        %min3A_530 = vector.broadcast %min3A_529 : i32 to vector<16xi32>
        %min3A_531 = arith.minui %bitcast3A_528, %min3A_530 : vector<16xi32>
        %bitcast3A_532 = vector.bitcast %min3A_531 : vector<16xi32> to vector<16xi32>
        tpu.vector_store_idx %arg6[%bitcast3A_532], %get3A_525 : memref<32784xf32, #tpu.memory_space<vmem>>[vector<16xi32>], vector<16xf32>,
        %mul3A_533 = arith.constant 25 : i32
        %mul3A_534 = arith.muli %scan3A_98, %mul3A_533 : i32
        %add3A_535 = arith.constant 23 : i32
        %add3A_536 = arith.addi %mul3A_534, %add3A_535 : i32
        %mul3A_537 = arith.constant 16 : i32
        %mul3A_538 = arith.muli %add3A_536, %mul3A_537 : i32
        %get3A_539 = arith.index_cast %mul3A_538 : i32 to index
        %get3A_540 = tpu.vector_load %arg9[%get3A_539] {strides = array<i32>} : memref<10000xi32, #tpu.memory_space<vmem>>, vector<16xi32>,
        %mul3A_541 = arith.constant 16 : i32
        %mul3A_542 = arith.muli %add3A_536, %mul3A_541 : i32
        %get3A_543 = arith.index_cast %mul3A_542 : i32 to index
        %get3A_544 = tpu.vector_load %arg10[%get3A_543] {strides = array<i32>} : memref<10000xf32, #tpu.memory_space<vmem>>, vector<16xf32>,
        %sub3A_545 = vector.broadcast %mul3A_2 : i32 to vector<16xi32>
        %sub3A_546 = arith.subi %get3A_540, %sub3A_545 : vector<16xi32>
        %bitcast3A_547 = vector.bitcast %sub3A_546 : vector<16xi32> to vector<16xi32>
        %min3A_548 = arith.constant 32768 : i32
        %min3A_549 = vector.broadcast %min3A_548 : i32 to vector<16xi32>
        %min3A_550 = arith.minui %bitcast3A_547, %min3A_549 : vector<16xi32>
        %bitcast3A_551 = vector.bitcast %min3A_550 : vector<16xi32> to vector<16xi32>
        tpu.vector_store_idx %arg6[%bitcast3A_551], %get3A_544 : memref<32784xf32, #tpu.memory_space<vmem>>[vector<16xi32>], vector<16xf32>,
        %mul3A_552 = arith.constant 25 : i32
        %mul3A_553 = arith.muli %scan3A_98, %mul3A_552 : i32
        %add3A_554 = arith.constant 24 : i32
        %add3A_555 = arith.addi %mul3A_553, %add3A_554 : i32
        %mul3A_556 = arith.constant 16 : i32
        %mul3A_557 = arith.muli %add3A_555, %mul3A_556 : i32
        %get3A_558 = arith.index_cast %mul3A_557 : i32 to index
        %get3A_559 = tpu.vector_load %arg9[%get3A_558] {strides = array<i32>} : memref<10000xi32, #tpu.memory_space<vmem>>, vector<16xi32>,
        %mul3A_560 = arith.constant 16 : i32
        %mul3A_561 = arith.muli %add3A_555, %mul3A_560 : i32
        %get3A_562 = arith.index_cast %mul3A_561 : i32 to index
        %get3A_563 = tpu.vector_load %arg10[%get3A_562] {strides = array<i32>} : memref<10000xf32, #tpu.memory_space<vmem>>, vector<16xf32>,
        %sub3A_564 = vector.broadcast %mul3A_2 : i32 to vector<16xi32>
        %sub3A_565 = arith.subi %get3A_559, %sub3A_564 : vector<16xi32>
        %bitcast3A_566 = vector.bitcast %sub3A_565 : vector<16xi32> to vector<16xi32>
        %min3A_567 = arith.constant 32768 : i32
        %min3A_568 = vector.broadcast %min3A_567 : i32 to vector<16xi32>
        %min3A_569 = arith.minui %bitcast3A_566, %min3A_568 : vector<16xi32>
        %bitcast3A_570 = vector.bitcast %min3A_569 : vector<16xi32> to vector<16xi32>
        tpu.vector_store_idx %arg6[%bitcast3A_570], %get3A_563 : memref<32784xf32, #tpu.memory_space<vmem>>[vector<16xi32>], vector<16xf32>,
        %scan3A_571 = arith.constant 0 : i32
        scf.yield %scan3A_571 : i32
      }
      %scan3A_96 = arith.constant 25 : i32
      %scan3A_97 = arith.constant 0 : i32
      scf.yield %scan3A_97 : i32
    }
    %scan3A_23 = arith.constant 25 : i32
    %scan3A_24 = arith.constant 0 : i32
    %scan3A_25 = arith.constant 0 : i32
    %scan3A_26 = arith.constant 16 : i32
    %scan3A_27 = arith.addi %scan3A_25, %scan3A_26 : i32
    %scan3A_28 = arith.constant 1 : i32
    %scan3A_29 = scf.for %scan3A_44 = %scan3A_25 to %scan3A_27 step %scan3A_28 iter_args(%scan3A_45 = %scan3A_24) -> (i32)  : i32 {
      %mul3A_46 = arith.constant 4 : i32
      %mul3A_47 = arith.muli %scan3A_44, %mul3A_46 : i32
      %add3A_48 = arith.constant 0 : i32
      %add3A_49 = arith.addi %mul3A_47, %add3A_48 : i32
      %mul3A_50 = arith.constant 16 : i32
      %mul3A_51 = arith.muli %add3A_49, %mul3A_50 : i32
      %swap3A_52 = arith.constant 0 : i32
      %swap3A_53 = arith.index_cast %swap3A_52 : i32 to index
      %swap3A_54 = arith.index_cast %mul3A_51 : i32 to index
      %swap3A_55 = tpu.vector_load %arg11[%swap3A_53, %swap3A_54] {strides = array<i32>} : memref<1x1024xf32, #tpu.memory_space<vmem>>, vector<16xf32>,
      tpu.vector_store %arg11[%swap3A_53, %swap3A_54], %broadcast_in_dim3A_3 {strides = array<i32>} : memref<1x1024xf32, #tpu.memory_space<vmem>>, vector<16xf32>,
      %mul3A_56 = arith.constant 4 : i32
      %mul3A_57 = arith.muli %scan3A_44, %mul3A_56 : i32
      %add3A_58 = arith.constant 1 : i32
      %add3A_59 = arith.addi %mul3A_57, %add3A_58 : i32
      %mul3A_60 = arith.constant 16 : i32
      %mul3A_61 = arith.muli %add3A_59, %mul3A_60 : i32
      %swap3A_62 = arith.constant 0 : i32
      %swap3A_63 = arith.index_cast %swap3A_62 : i32 to index
      %swap3A_64 = arith.index_cast %mul3A_61 : i32 to index
      %swap3A_65 = tpu.vector_load %arg11[%swap3A_63, %swap3A_64] {strides = array<i32>} : memref<1x1024xf32, #tpu.memory_space<vmem>>, vector<16xf32>,
      tpu.vector_store %arg11[%swap3A_63, %swap3A_64], %broadcast_in_dim3A_3 {strides = array<i32>} : memref<1x1024xf32, #tpu.memory_space<vmem>>, vector<16xf32>,
      %mul3A_66 = arith.constant 4 : i32
      %mul3A_67 = arith.muli %scan3A_44, %mul3A_66 : i32
      %add3A_68 = arith.constant 2 : i32
      %add3A_69 = arith.addi %mul3A_67, %add3A_68 : i32
      %mul3A_70 = arith.constant 16 : i32
      %mul3A_71 = arith.muli %add3A_69, %mul3A_70 : i32
      %swap3A_72 = arith.constant 0 : i32
      %swap3A_73 = arith.index_cast %swap3A_72 : i32 to index
      %swap3A_74 = arith.index_cast %mul3A_71 : i32 to index
      %swap3A_75 = tpu.vector_load %arg11[%swap3A_73, %swap3A_74] {strides = array<i32>} : memref<1x1024xf32, #tpu.memory_space<vmem>>, vector<16xf32>,
      tpu.vector_store %arg11[%swap3A_73, %swap3A_74], %broadcast_in_dim3A_3 {strides = array<i32>} : memref<1x1024xf32, #tpu.memory_space<vmem>>, vector<16xf32>,
      %mul3A_76 = arith.constant 4 : i32
      %mul3A_77 = arith.muli %scan3A_44, %mul3A_76 : i32
      %add3A_78 = arith.constant 3 : i32
      %add3A_79 = arith.addi %mul3A_77, %add3A_78 : i32
      %mul3A_80 = arith.constant 16 : i32
      %mul3A_81 = arith.muli %add3A_79, %mul3A_80 : i32
      %swap3A_82 = arith.constant 0 : i32
      %swap3A_83 = arith.index_cast %swap3A_82 : i32 to index
      %swap3A_84 = arith.index_cast %mul3A_81 : i32 to index
      %swap3A_85 = tpu.vector_load %arg11[%swap3A_83, %swap3A_84] {strides = array<i32>} : memref<1x1024xf32, #tpu.memory_space<vmem>>, vector<16xf32>,
      tpu.vector_store %arg11[%swap3A_83, %swap3A_84], %broadcast_in_dim3A_3 {strides = array<i32>} : memref<1x1024xf32, #tpu.memory_space<vmem>>, vector<16xf32>,
      %scan3A_86 = arith.constant 0 : i32
      scf.yield %scan3A_86 : i32
    }
    %scan3A_30 = arith.constant 16 : i32
    %scan3A_31 = arith.constant 0 : i32
    %scan3A_32 = arith.constant 32 : i32
    %scan3A_33 = arith.addi %scan3A_31, %scan3A_32 : i32
    %scan3A_34 = arith.constant 1 : i32
    %scan3A_35:2 = scf.for %scan3A_44 = %scan3A_31 to %scan3A_33 step %scan3A_34 iter_args(%scan3A_45 = %broadcast_in_dim3A_3, %scan3A_46 = %broadcast_in_dim3A_3) -> (vector<16xf32>, vector<16xf32>)  : i32 {
      %scan3A_47 = arith.constant 0 : i32
      %scan3A_48 = arith.constant 16 : i32
      %scan3A_49 = arith.addi %scan3A_47, %scan3A_48 : i32
      %scan3A_50 = arith.constant 1 : i32
      %scan3A_51 = scf.for %scan3A_63 = %scan3A_47 to %scan3A_49 step %scan3A_50 iter_args(%scan3A_64 = %broadcast_in_dim3A_3) -> (vector<16xf32>)  : i32 {
        %mul3A_65 = arith.constant 4 : i32
        %mul3A_66 = arith.muli %scan3A_63, %mul3A_65 : i32
        %add3A_67 = arith.constant 0 : i32
        %add3A_68 = arith.addi %mul3A_66, %add3A_67 : i32
        %mul3A_69 = arith.constant 16 : i32
        %mul3A_70 = arith.muli %add3A_68, %mul3A_69 : i32
        %mul3A_71 = arith.constant 1024 : i32
        %mul3A_72 = arith.muli %scan3A_44, %mul3A_71 : i32
        %add3A_73 = arith.addi %mul3A_72, %mul3A_70 : i32
        %get3A = arith.index_cast %add3A_73 : i32 to index
        %get3A_74 = tpu.vector_load %arg6[%get3A] {strides = array<i32>} : memref<32784xf32, #tpu.memory_space<vmem>>, vector<16xf32>,
        %get3A_75 = arith.constant 0 : i32
        %get3A_76 = arith.index_cast %get3A_75 : i32 to index
        %get3A_77 = arith.index_cast %mul3A_70 : i32 to index
        %get3A_78 = tpu.vector_load %arg11[%get3A_76, %get3A_77] {strides = array<i32>} : memref<1x1024xf32, #tpu.memory_space<vmem>>, vector<16xf32>,
        %max3A = arith.maximumf %get3A_78, %get3A_74 : vector<16xf32>
        %swap3A_79 = arith.constant 0 : i32
        %swap3A_80 = arith.index_cast %swap3A_79 : i32 to index
        %swap3A_81 = arith.index_cast %mul3A_70 : i32 to index
        %swap3A_82 = tpu.vector_load %arg11[%swap3A_80, %swap3A_81] {strides = array<i32>} : memref<1x1024xf32, #tpu.memory_space<vmem>>, vector<16xf32>,
        tpu.vector_store %arg11[%swap3A_80, %swap3A_81], %max3A {strides = array<i32>} : memref<1x1024xf32, #tpu.memory_space<vmem>>, vector<16xf32>,
        %max3A_83 = arith.maximumf %scan3A_64, %get3A_74 : vector<16xf32>
        %mul3A_84 = arith.constant 4 : i32
        %mul3A_85 = arith.muli %scan3A_63, %mul3A_84 : i32
        %add3A_86 = arith.constant 1 : i32
        %add3A_87 = arith.addi %mul3A_85, %add3A_86 : i32
        %mul3A_88 = arith.constant 16 : i32
        %mul3A_89 = arith.muli %add3A_87, %mul3A_88 : i32
        %mul3A_90 = arith.constant 1024 : i32
        %mul3A_91 = arith.muli %scan3A_44, %mul3A_90 : i32
        %add3A_92 = arith.addi %mul3A_91, %mul3A_89 : i32
        %get3A_93 = arith.index_cast %add3A_92 : i32 to index
        %get3A_94 = tpu.vector_load %arg6[%get3A_93] {strides = array<i32>} : memref<32784xf32, #tpu.memory_space<vmem>>, vector<16xf32>,
        %get3A_95 = arith.constant 0 : i32
        %get3A_96 = arith.index_cast %get3A_95 : i32 to index
        %get3A_97 = arith.index_cast %mul3A_89 : i32 to index
        %get3A_98 = tpu.vector_load %arg11[%get3A_96, %get3A_97] {strides = array<i32>} : memref<1x1024xf32, #tpu.memory_space<vmem>>, vector<16xf32>,
        %max3A_99 = arith.maximumf %get3A_98, %get3A_94 : vector<16xf32>
        %swap3A_100 = arith.constant 0 : i32
        %swap3A_101 = arith.index_cast %swap3A_100 : i32 to index
        %swap3A_102 = arith.index_cast %mul3A_89 : i32 to index
        %swap3A_103 = tpu.vector_load %arg11[%swap3A_101, %swap3A_102] {strides = array<i32>} : memref<1x1024xf32, #tpu.memory_space<vmem>>, vector<16xf32>,
        tpu.vector_store %arg11[%swap3A_101, %swap3A_102], %max3A_99 {strides = array<i32>} : memref<1x1024xf32, #tpu.memory_space<vmem>>, vector<16xf32>,
        %max3A_104 = arith.maximumf %max3A_83, %get3A_94 : vector<16xf32>
        %mul3A_105 = arith.constant 4 : i32
        %mul3A_106 = arith.muli %scan3A_63, %mul3A_105 : i32
        %add3A_107 = arith.constant 2 : i32
        %add3A_108 = arith.addi %mul3A_106, %add3A_107 : i32
        %mul3A_109 = arith.constant 16 : i32
        %mul3A_110 = arith.muli %add3A_108, %mul3A_109 : i32
        %mul3A_111 = arith.constant 1024 : i32
        %mul3A_112 = arith.muli %scan3A_44, %mul3A_111 : i32
        %add3A_113 = arith.addi %mul3A_112, %mul3A_110 : i32
        %get3A_114 = arith.index_cast %add3A_113 : i32 to index
        %get3A_115 = tpu.vector_load %arg6[%get3A_114] {strides = array<i32>} : memref<32784xf32, #tpu.memory_space<vmem>>, vector<16xf32>,
        %get3A_116 = arith.constant 0 : i32
        %get3A_117 = arith.index_cast %get3A_116 : i32 to index
        %get3A_118 = arith.index_cast %mul3A_110 : i32 to index
        %get3A_119 = tpu.vector_load %arg11[%get3A_117, %get3A_118] {strides = array<i32>} : memref<1x1024xf32, #tpu.memory_space<vmem>>, vector<16xf32>,
        %max3A_120 = arith.maximumf %get3A_119, %get3A_115 : vector<16xf32>
        %swap3A_121 = arith.constant 0 : i32
        %swap3A_122 = arith.index_cast %swap3A_121 : i32 to index
        %swap3A_123 = arith.index_cast %mul3A_110 : i32 to index
        %swap3A_124 = tpu.vector_load %arg11[%swap3A_122, %swap3A_123] {strides = array<i32>} : memref<1x1024xf32, #tpu.memory_space<vmem>>, vector<16xf32>,
        tpu.vector_store %arg11[%swap3A_122, %swap3A_123], %max3A_120 {strides = array<i32>} : memref<1x1024xf32, #tpu.memory_space<vmem>>, vector<16xf32>,
        %max3A_125 = arith.maximumf %max3A_104, %get3A_115 : vector<16xf32>
        %mul3A_126 = arith.constant 4 : i32
        %mul3A_127 = arith.muli %scan3A_63, %mul3A_126 : i32
        %add3A_128 = arith.constant 3 : i32
        %add3A_129 = arith.addi %mul3A_127, %add3A_128 : i32
        %mul3A_130 = arith.constant 16 : i32
        %mul3A_131 = arith.muli %add3A_129, %mul3A_130 : i32
        %mul3A_132 = arith.constant 1024 : i32
        %mul3A_133 = arith.muli %scan3A_44, %mul3A_132 : i32
        %add3A_134 = arith.addi %mul3A_133, %mul3A_131 : i32
        %get3A_135 = arith.index_cast %add3A_134 : i32 to index
        %get3A_136 = tpu.vector_load %arg6[%get3A_135] {strides = array<i32>} : memref<32784xf32, #tpu.memory_space<vmem>>, vector<16xf32>,
        %get3A_137 = arith.constant 0 : i32
        %get3A_138 = arith.index_cast %get3A_137 : i32 to index
        %get3A_139 = arith.index_cast %mul3A_131 : i32 to index
        %get3A_140 = tpu.vector_load %arg11[%get3A_138, %get3A_139] {strides = array<i32>} : memref<1x1024xf32, #tpu.memory_space<vmem>>, vector<16xf32>,
        %max3A_141 = arith.maximumf %get3A_140, %get3A_136 : vector<16xf32>
        %swap3A_142 = arith.constant 0 : i32
        %swap3A_143 = arith.index_cast %swap3A_142 : i32 to index
        %swap3A_144 = arith.index_cast %mul3A_131 : i32 to index
        %swap3A_145 = tpu.vector_load %arg11[%swap3A_143, %swap3A_144] {strides = array<i32>} : memref<1x1024xf32, #tpu.memory_space<vmem>>, vector<16xf32>,
        tpu.vector_store %arg11[%swap3A_143, %swap3A_144], %max3A_141 {strides = array<i32>} : memref<1x1024xf32, #tpu.memory_space<vmem>>, vector<16xf32>,
        %max3A_146 = arith.maximumf %max3A_125, %get3A_136 : vector<16xf32>
        scf.yield %max3A_146 : vector<16xf32>
      }
      %scan3A_52 = arith.constant 16 : i32
      %reduce_max3A = arith.constant true
      %reduce_max3A_53 = vector.broadcast %reduce_max3A : i1 to vector<16xi1>
      %reduce_max3A_54 = tpu.scan <max>, %scan3A_51 masked %reduce_max3A_53 : vector<16xf32>, vector<16xi1> -> vector<16xf32>
      %reduce_max3A_55 = vector.extract %reduce_max3A_54[15] : f32 from vector<16xf32>
      %eq3A = vector.broadcast %scan3A_44 : i32 to vector<16xi32>
      %eq3A_56 = arith.cmpi eq, %iota3A, %eq3A : vector<16xi32>
      %broadcast_in_dim3A_57 = vector.broadcast %reduce_max3A_55 : f32 to vector<16xf32>
      %select_n3A = arith.select %eq3A_56, %broadcast_in_dim3A_57, %scan3A_45 : vector<16xi1>, vector<16xf32>
      %sub3A = arith.constant 16 : i32
      %sub3A_58 = arith.subi %scan3A_44, %sub3A : i32
      %eq3A_59 = vector.broadcast %sub3A_58 : i32 to vector<16xi32>
      %eq3A_60 = arith.cmpi eq, %iota3A, %eq3A_59 : vector<16xi32>
      %broadcast_in_dim3A_61 = vector.broadcast %reduce_max3A_55 : f32 to vector<16xf32>
      %select_n3A_62 = arith.select %eq3A_60, %broadcast_in_dim3A_61, %scan3A_46 : vector<16xi1>, vector<16xf32>
      scf.yield %select_n3A, %select_n3A_62 : vector<16xf32>, vector<16xf32>
    }
    %scan3A_36 = arith.constant 32 : i32
    %swap3A = arith.constant 0 : index
    %swap3A_37 = tpu.vector_load %arg12[%swap3A] {strides = array<i32>} : memref<32xf32, #tpu.memory_space<vmem>>, vector<16xf32>,
    tpu.vector_store %arg12[%swap3A], %scan3A_35#0 {strides = array<i32>} : memref<32xf32, #tpu.memory_space<vmem>>, vector<16xf32>,
    %swap3A_38 = arith.constant 16 : index
    %swap3A_39 = tpu.vector_load %arg12[%swap3A_38] {strides = array<i32>} : memref<32xf32, #tpu.memory_space<vmem>>, vector<16xf32>,
    tpu.vector_store %arg12[%swap3A_38], %scan3A_35#1 {strides = array<i32>} : memref<32xf32, #tpu.memory_space<vmem>>, vector<16xf32>,
    %mul3A_40 = arith.constant 32 : i32
    %mul3A_41 = arith.muli %add3A, %mul3A_40 : i32
    "tpu.region"() ({
      %run_scoped3A = tpu.sem_alloc : memref<!tpu.dma_semaphore, #tpu.memory_space<semaphore_mem>>
      %dma_start3A_44 = tpu.memref_slice %arg4[%mul3A_41] : memref<1024xf32, #tpu.memory_space<hbm>> -> memref<32xf32, #tpu.memory_space<hbm>>
      %dma_start3A_45 = tpu.memref_slice %arg4[%mul3A_41] : memref<1024xf32, #tpu.memory_space<hbm>> -> memref<32xf32, #tpu.memory_space<hbm>>
      tpu.enqueue_dma source(%arg12 : memref<32xf32, #tpu.memory_space<vmem>>) target(%dma_start3A_45 : memref<32xf32, #tpu.memory_space<hbm>>) target_semaphore(%run_scoped3A : memref<!tpu.dma_semaphore, #tpu.memory_space<semaphore_mem>>)
      %dma_wait3A = tpu.memref_slice %arg4[%mul3A_41] : memref<1024xf32, #tpu.memory_space<hbm>> -> memref<32xf32, #tpu.memory_space<hbm>>
      %dma_wait3A_46 = tpu.memref_slice %arg4[%mul3A_41] : memref<1024xf32, #tpu.memory_space<hbm>> -> memref<32xf32, #tpu.memory_space<hbm>>
      tpu.wait_dma2 semaphore(%run_scoped3A : memref<!tpu.dma_semaphore, #tpu.memory_space<semaphore_mem>>) src(%arg12 : memref<32xf32, #tpu.memory_space<vmem>>) dst(%dma_wait3A_46 : memref<32xf32, #tpu.memory_space<hbm>>)
      tpu.yield
    }) : () -> ()
    "tpu.region"() ({
      %run_scoped3A = tpu.sem_alloc : memref<!tpu.dma_semaphore, #tpu.memory_space<semaphore_mem>>
      %dma_start3A_44 = arith.constant 0 : i32
      %dma_start3A_45 = arith.constant 0 : i32
      %dma_start3A_46 = tpu.memref_slice %arg15[%arg1, %dma_start3A_44, %dma_start3A_45] : memref<16x8x1024xf32, #tpu.memory_space<vmem_shared>> -> memref<1x1x1024xf32, #tpu.memory_space<vmem_shared>>
      %dma_start3A_47 = tpu.memref_squeeze %dma_start3A_46 : memref<1x1x1024xf32, #tpu.memory_space<vmem_shared>> -> memref<1x1024xf32, #tpu.memory_space<vmem_shared>>
      %dma_start3A_48 = arith.constant 0 : i32
      %dma_start3A_49 = arith.constant 0 : i32
      %dma_start3A_50 = tpu.memref_slice %arg15[%arg1, %dma_start3A_48, %dma_start3A_49] : memref<16x8x1024xf32, #tpu.memory_space<vmem_shared>> -> memref<1x1x1024xf32, #tpu.memory_space<vmem_shared>>
      %dma_start3A_51 = tpu.memref_squeeze %dma_start3A_50 : memref<1x1x1024xf32, #tpu.memory_space<vmem_shared>> -> memref<1x1024xf32, #tpu.memory_space<vmem_shared>>
      tpu.enqueue_dma source(%arg11 : memref<1x1024xf32, #tpu.memory_space<vmem>>) target(%dma_start3A_51 : memref<1x1024xf32, #tpu.memory_space<vmem_shared>>) target_semaphore(%run_scoped3A : memref<!tpu.dma_semaphore, #tpu.memory_space<semaphore_mem>>)
      %dma_wait3A = arith.constant 0 : i32
      %dma_wait3A_52 = arith.constant 0 : i32
      %dma_wait3A_53 = tpu.memref_slice %arg15[%arg1, %dma_wait3A, %dma_wait3A_52] : memref<16x8x1024xf32, #tpu.memory_space<vmem_shared>> -> memref<1x1x1024xf32, #tpu.memory_space<vmem_shared>>
      %dma_wait3A_54 = tpu.memref_squeeze %dma_wait3A_53 : memref<1x1x1024xf32, #tpu.memory_space<vmem_shared>> -> memref<1x1024xf32, #tpu.memory_space<vmem_shared>>
      %dma_wait3A_55 = arith.constant 0 : i32
      %dma_wait3A_56 = arith.constant 0 : i32
      %dma_wait3A_57 = tpu.memref_slice %arg15[%arg1, %dma_wait3A_55, %dma_wait3A_56] : memref<16x8x1024xf32, #tpu.memory_space<vmem_shared>> -> memref<1x1x1024xf32, #tpu.memory_space<vmem_shared>>
      %dma_wait3A_58 = tpu.memref_squeeze %dma_wait3A_57 : memref<1x1x1024xf32, #tpu.memory_space<vmem_shared>> -> memref<1x1024xf32, #tpu.memory_space<vmem_shared>>
      tpu.wait_dma2 semaphore(%run_scoped3A : memref<!tpu.dma_semaphore, #tpu.memory_space<semaphore_mem>>) src(%arg11 : memref<1x1024xf32, #tpu.memory_space<vmem>>) dst(%dma_wait3A_58 : memref<1x1024xf32, #tpu.memory_space<vmem_shared>>)
      tpu.yield
    }) : () -> ()
    %barrier3A = arith.constant 0 : index
    tpu.barrier barrier_id(%barrier3A)
    %lt3A = arith.constant 8 : i32
    %lt3A_42 = arith.cmpi slt, %arg1, %lt3A : i32
    %convert_element_type3A = arith.extui %lt3A_42 : i1 to i32
    %cond3A = arith.constant 0 : i32
    %cond3A_43 = arith.cmpi ne, %convert_element_type3A, %cond3A : i32
    scf.if %cond3A_43 {
      %mul3A_44 = arith.constant 128 : i32
      %mul3A_45 = arith.muli %arg1, %mul3A_44 : i32
      "tpu.region"() ({
        %run_scoped3A = tpu.sem_alloc : memref<!tpu.dma_semaphore, #tpu.memory_space<semaphore_mem>>
        %dma_start3A_58 = arith.constant 0 : i32
        %dma_start3A_59 = arith.constant 0 : i32
        %dma_start3A_60 = tpu.memref_slice %arg15[%dma_start3A_58, %dma_start3A_59, %mul3A_45] : memref<16x8x1024xf32, #tpu.memory_space<vmem_shared>> -> memref<16x1x128xf32, #tpu.memory_space<vmem_shared>>
        %dma_start3A_61 = arith.constant 0 : i32
        %dma_start3A_62 = arith.constant 0 : i32
        %dma_start3A_63 = tpu.memref_slice %arg15[%dma_start3A_61, %dma_start3A_62, %mul3A_45] : memref<16x8x1024xf32, #tpu.memory_space<vmem_shared>> -> memref<16x1x128xf32, #tpu.memory_space<vmem_shared>>
        tpu.enqueue_dma source(%dma_start3A_63 : memref<16x1x128xf32, #tpu.memory_space<vmem_shared>>) target(%arg13 : memref<16x1x128xf32, #tpu.memory_space<vmem>>) target_semaphore(%run_scoped3A : memref<!tpu.dma_semaphore, #tpu.memory_space<semaphore_mem>>)
        %dma_wait3A = arith.constant 0 : i32
        %dma_wait3A_64 = arith.constant 0 : i32
        %dma_wait3A_65 = tpu.memref_slice %arg15[%dma_wait3A, %dma_wait3A_64, %mul3A_45] : memref<16x8x1024xf32, #tpu.memory_space<vmem_shared>> -> memref<16x1x128xf32, #tpu.memory_space<vmem_shared>>
        %dma_wait3A_66 = arith.constant 0 : i32
        %dma_wait3A_67 = arith.constant 0 : i32
        %dma_wait3A_68 = tpu.memref_slice %arg15[%dma_wait3A_66, %dma_wait3A_67, %mul3A_45] : memref<16x8x1024xf32, #tpu.memory_space<vmem_shared>> -> memref<16x1x128xf32, #tpu.memory_space<vmem_shared>>
        tpu.wait_dma2 semaphore(%run_scoped3A : memref<!tpu.dma_semaphore, #tpu.memory_space<semaphore_mem>>) src(%dma_wait3A_68 : memref<16x1x128xf32, #tpu.memory_space<vmem_shared>>) dst(%arg13 : memref<16x1x128xf32, #tpu.memory_space<vmem>>)
        tpu.yield
      }) : () -> ()
      %scan3A_46 = arith.constant 0 : i32
      %scan3A_47 = arith.constant 0 : i32
      %scan3A_48 = arith.constant 8 : i32
      %scan3A_49 = arith.addi %scan3A_47, %scan3A_48 : i32
      %scan3A_50 = arith.constant 1 : i32
      %scan3A_51 = scf.for %scan3A_58 = %scan3A_47 to %scan3A_49 step %scan3A_50 iter_args(%scan3A_59 = %scan3A_46) -> (i32)  : i32 {
        %mul3A_60 = arith.constant 16 : i32
        %mul3A_61 = arith.muli %scan3A_58, %mul3A_60 : i32
        %get3A = arith.constant 0 : i32
        %get3A_62 = arith.constant 0 : i32
        %get3A_63 = arith.index_cast %get3A : i32 to index
        %get3A_64 = arith.index_cast %get3A_62 : i32 to index
        %get3A_65 = arith.index_cast %mul3A_61 : i32 to index
        %get3A_66 = tpu.vector_load %arg13[%get3A_63, %get3A_64, %get3A_65] {strides = array<i32>} : memref<16x1x128xf32, #tpu.memory_space<vmem>>, vector<16xf32>,
        %scan3A_67 = arith.constant 1 : i32
        %scan3A_68 = arith.constant 15 : i32
        %scan3A_69 = arith.addi %scan3A_67, %scan3A_68 : i32
        %scan3A_70 = arith.constant 1 : i32
        %scan3A_71 = scf.for %scan3A_78 = %scan3A_67 to %scan3A_69 step %scan3A_70 iter_args(%scan3A_79 = %get3A_66) -> (vector<16xf32>)  : i32 {
          %mul3A_80 = arith.constant 16 : i32
          %mul3A_81 = arith.muli %scan3A_58, %mul3A_80 : i32
          %get3A_82 = arith.constant 0 : i32
          %get3A_83 = arith.index_cast %scan3A_78 : i32 to index
          %get3A_84 = arith.index_cast %get3A_82 : i32 to index
          %get3A_85 = arith.index_cast %mul3A_81 : i32 to index
          %get3A_86 = tpu.vector_load %arg13[%get3A_83, %get3A_84, %get3A_85] {strides = array<i32>} : memref<16x1x128xf32, #tpu.memory_space<vmem>>, vector<16xf32>,
          %max3A = arith.maximumf %scan3A_79, %get3A_86 : vector<16xf32>
          scf.yield %max3A : vector<16xf32>
        }
        %scan3A_72 = arith.constant 15 : i32
        %mul3A_73 = arith.constant 16 : i32
        %mul3A_74 = arith.muli %scan3A_58, %mul3A_73 : i32
        %swap3A_75 = arith.index_cast %mul3A_74 : i32 to index
        %swap3A_76 = tpu.vector_load %arg14[%swap3A_75] {strides = array<i32>} : memref<128xf32, #tpu.memory_space<vmem>>, vector<16xf32>,
        tpu.vector_store %arg14[%swap3A_75], %scan3A_71 {strides = array<i32>} : memref<128xf32, #tpu.memory_space<vmem>>, vector<16xf32>,
        %scan3A_77 = arith.constant 0 : i32
        scf.yield %scan3A_77 : i32
      }
      %scan3A_52 = arith.constant 8 : i32
      %mul3A_53 = arith.constant 1024 : i32
      %mul3A_54 = arith.muli %arg0, %mul3A_53 : i32
      %mul3A_55 = arith.constant 128 : i32
      %mul3A_56 = arith.muli %arg1, %mul3A_55 : i32
      %add3A_57 = arith.addi %mul3A_54, %mul3A_56 : i32
      "tpu.region"() ({
        %run_scoped3A = tpu.sem_alloc : memref<!tpu.dma_semaphore, #tpu.memory_space<semaphore_mem>>
        %dma_start3A_58 = tpu.memref_slice %arg5[%add3A_57] : memref<2048xf32, #tpu.memory_space<hbm>> -> memref<128xf32, #tpu.memory_space<hbm>>
        %dma_start3A_59 = tpu.memref_slice %arg5[%add3A_57] : memref<2048xf32, #tpu.memory_space<hbm>> -> memref<128xf32, #tpu.memory_space<hbm>>
        tpu.enqueue_dma source(%arg14 : memref<128xf32, #tpu.memory_space<vmem>>) target(%dma_start3A_59 : memref<128xf32, #tpu.memory_space<hbm>>) target_semaphore(%run_scoped3A : memref<!tpu.dma_semaphore, #tpu.memory_space<semaphore_mem>>)
        %dma_wait3A = tpu.memref_slice %arg5[%add3A_57] : memref<2048xf32, #tpu.memory_space<hbm>> -> memref<128xf32, #tpu.memory_space<hbm>>
        %dma_wait3A_60 = tpu.memref_slice %arg5[%add3A_57] : memref<2048xf32, #tpu.memory_space<hbm>> -> memref<128xf32, #tpu.memory_space<hbm>>
        tpu.wait_dma2 semaphore(%run_scoped3A : memref<!tpu.dma_semaphore, #tpu.memory_space<semaphore_mem>>) src(%arg14 : memref<128xf32, #tpu.memory_space<vmem>>) dst(%dma_wait3A_60 : memref<128xf32, #tpu.memory_space<hbm>>)
        tpu.yield
      }) : () -> ()
    } else {
    }
    return
  }
}

module attributes {stable_mosaic.version = 14 : i64} {
  func.func @_conv_body(%arg0: i32, %arg1: memref<7x8192xf32, #tpu.memory_space<vmem>>, %arg2: memref<2x8192xi32, #tpu.memory_space<vmem>>, %arg3: memref<18x7xf32, #tpu.memory_space<vmem>>, %arg4: memref<18x1xf32, #tpu.memory_space<vmem>>, %arg5: memref<36x18xf32, #tpu.memory_space<vmem>>, %arg6: memref<36x1xf32, #tpu.memory_space<vmem>>, %arg7: memref<36x36xf32, #tpu.memory_space<vmem>>, %arg8: memref<36x1xf32, #tpu.memory_space<vmem>>, %arg9: memref<1x36xf32, #tpu.memory_space<vmem>>, %arg10: memref<1x1xf32, #tpu.memory_space<vmem>>, %arg11: memref<8192xf32, #tpu.memory_space<vmem>>, %arg12: memref<8192xi32, #tpu.memory_space<vmem>>) attributes {dimension_semantics = [#tpu.dimension_semantics<arbitrary>], iteration_bounds = array<i64: 62>, scalar_prefetch = 0 : i64, scratch_operands = 0 : i64, tpu.core_type = #tpu.core_type<tc>, window_params = [{transform_indices = @transform_0, window_bounds = array<i64: 7, 8192>}, {transform_indices = @transform_1, window_bounds = array<i64: 2, 8192>}, {pipeline_mode = #tpu.pipeline_mode<synchronous>, transform_indices = @transform_2, window_bounds = array<i64: 18, 7>}, {pipeline_mode = #tpu.pipeline_mode<synchronous>, transform_indices = @transform_3, window_bounds = array<i64: 18, 1>}, {pipeline_mode = #tpu.pipeline_mode<synchronous>, transform_indices = @transform_4, window_bounds = array<i64: 36, 18>}, {pipeline_mode = #tpu.pipeline_mode<synchronous>, transform_indices = @transform_5, window_bounds = array<i64: 36, 1>}, {pipeline_mode = #tpu.pipeline_mode<synchronous>, transform_indices = @transform_6, window_bounds = array<i64: 36, 36>}, {pipeline_mode = #tpu.pipeline_mode<synchronous>, transform_indices = @transform_7, window_bounds = array<i64: 36, 1>}, {pipeline_mode = #tpu.pipeline_mode<synchronous>, transform_indices = @transform_8, window_bounds = array<i64: 1, 36>}, {pipeline_mode = #tpu.pipeline_mode<synchronous>, transform_indices = @transform_9, window_bounds = array<i64: 1, 1>}, {transform_indices = @transform_10, window_bounds = array<i64: 8192>}, {transform_indices = @transform_11, window_bounds = array<i64: 8192>}]} {
    %get3A = arith.constant 0 : index
    %get3A_0 = arith.constant 0 : index
    %get3A_1 = vector.load %arg1[%get3A, %get3A_0] : memref<7x8192xf32, #tpu.memory_space<vmem>>, vector<7x8192xf32>
    %get3A_2 = arith.constant 0 : index
    %get3A_3 = arith.constant 0 : index
    %get3A_4 = vector.load %arg3[%get3A_2, %get3A_3] : memref<18x7xf32, #tpu.memory_space<vmem>>, vector<18x7xf32>
    %dot_general3A = arith.constant dense<0.000000e+00> : vector<18x8192xf32>
    %dot_general3A_5 = tpu.matmul %get3A_4, %get3A_1, %dot_general3A {dimension_numbers = #tpu.dot_dimension_numbers<[1], [0], [0], [1], [0, 0, 1, 1], [], []>, transpose_lhs_hint = false} : vector<18x7xf32>, vector<7x8192xf32>, vector<18x8192xf32> -> vector<18x8192xf32>
    %get3A_6 = arith.constant 0 : index
    %get3A_7 = arith.constant 0 : index
    %get3A_8 = vector.load %arg4[%get3A_6, %get3A_7] : memref<18x1xf32, #tpu.memory_space<vmem>>, vector<18x1xf32>
    %add3A = vector.broadcast %get3A_8 : vector<18x1xf32> to vector<18x8192xf32>
    %add3A_9 = arith.addf %dot_general3A_5, %add3A : vector<18x8192xf32>
    %max3A = arith.constant 0.000000e+00 : f32
    %max3A_10 = vector.broadcast %max3A : f32 to vector<18x8192xf32>
    %max3A_11 = arith.maximumf %add3A_9, %max3A_10 : vector<18x8192xf32>
    %get3A_12 = arith.constant 0 : index
    %get3A_13 = arith.constant 0 : index
    %get3A_14 = vector.load %arg5[%get3A_12, %get3A_13] : memref<36x18xf32, #tpu.memory_space<vmem>>, vector<36x18xf32>
    %dot_general3A_15 = arith.constant dense<0.000000e+00> : vector<36x8192xf32>
    %dot_general3A_16 = tpu.matmul %get3A_14, %max3A_11, %dot_general3A_15 {dimension_numbers = #tpu.dot_dimension_numbers<[1], [0], [0], [1], [0, 0, 1, 1], [], []>, transpose_lhs_hint = false} : vector<36x18xf32>, vector<18x8192xf32>, vector<36x8192xf32> -> vector<36x8192xf32>
    %get3A_17 = arith.constant 0 : index
    %get3A_18 = arith.constant 0 : index
    %get3A_19 = vector.load %arg6[%get3A_17, %get3A_18] : memref<36x1xf32, #tpu.memory_space<vmem>>, vector<36x1xf32>
    %add3A_20 = vector.broadcast %get3A_19 : vector<36x1xf32> to vector<36x8192xf32>
    %add3A_21 = arith.addf %dot_general3A_16, %add3A_20 : vector<36x8192xf32>
    %max3A_22 = arith.constant 0.000000e+00 : f32
    %max3A_23 = vector.broadcast %max3A_22 : f32 to vector<36x8192xf32>
    %max3A_24 = arith.maximumf %add3A_21, %max3A_23 : vector<36x8192xf32>
    %get3A_25 = arith.constant 0 : index
    %get3A_26 = arith.constant 0 : index
    %get3A_27 = vector.load %arg7[%get3A_25, %get3A_26] : memref<36x36xf32, #tpu.memory_space<vmem>>, vector<36x36xf32>
    %dot_general3A_28 = arith.constant dense<0.000000e+00> : vector<36x8192xf32>
    %dot_general3A_29 = tpu.matmul %get3A_27, %max3A_24, %dot_general3A_28 {dimension_numbers = #tpu.dot_dimension_numbers<[1], [0], [0], [1], [0, 0, 1, 1], [], []>, transpose_lhs_hint = false} : vector<36x36xf32>, vector<36x8192xf32>, vector<36x8192xf32> -> vector<36x8192xf32>
    %get3A_30 = arith.constant 0 : index
    %get3A_31 = arith.constant 0 : index
    %get3A_32 = vector.load %arg8[%get3A_30, %get3A_31] : memref<36x1xf32, #tpu.memory_space<vmem>>, vector<36x1xf32>
    %add3A_33 = vector.broadcast %get3A_32 : vector<36x1xf32> to vector<36x8192xf32>
    %add3A_34 = arith.addf %dot_general3A_29, %add3A_33 : vector<36x8192xf32>
    %max3A_35 = arith.constant 0.000000e+00 : f32
    %max3A_36 = vector.broadcast %max3A_35 : f32 to vector<36x8192xf32>
    %max3A_37 = arith.maximumf %add3A_34, %max3A_36 : vector<36x8192xf32>
    %get3A_38 = arith.constant 0 : index
    %get3A_39 = arith.constant 0 : index
    %get3A_40 = vector.load %arg9[%get3A_38, %get3A_39] : memref<1x36xf32, #tpu.memory_space<vmem>>, vector<1x36xf32>
    %dot_general3A_41 = arith.constant dense<0.000000e+00> : vector<1x8192xf32>
    %dot_general3A_42 = tpu.matmul %get3A_40, %max3A_37, %dot_general3A_41 {dimension_numbers = #tpu.dot_dimension_numbers<[1], [0], [0], [1], [0, 0, 1, 1], [], []>, transpose_lhs_hint = false} : vector<1x36xf32>, vector<36x8192xf32>, vector<1x8192xf32> -> vector<1x8192xf32>
    %get3A_43 = arith.constant 0 : index
    %get3A_44 = arith.constant 0 : index
    %get3A_45 = vector.load %arg10[%get3A_43, %get3A_44] : memref<1x1xf32, #tpu.memory_space<vmem>>, vector<1x1xf32>
    %add3A_46 = vector.broadcast %get3A_45 : vector<1x1xf32> to vector<1x8192xf32>
    %add3A_47 = arith.addf %dot_general3A_42, %add3A_46 : vector<1x8192xf32>
    %squeeze3A = vector.shape_cast %add3A_47 : vector<1x8192xf32> to vector<8192xf32>
    %swap3A = arith.constant 0 : index
    %swap3A_48 = vector.load %arg11[%swap3A] : memref<8192xf32, #tpu.memory_space<vmem>>, vector<8192xf32>
    tpu.vector_store %arg11[%swap3A], %squeeze3A {strides = array<i32>} : memref<8192xf32, #tpu.memory_space<vmem>>, vector<8192xf32>,
    %get3A_49 = arith.constant 0 : index
    %get3A_50 = arith.constant 0 : index
    %get3A_51 = vector.load %arg2[%get3A_49, %get3A_50] : memref<2x8192xi32, #tpu.memory_space<vmem>>, vector<2x8192xi32>
    %slice3A = vector.extract_strided_slice %get3A_51 {offsets = [0, 0], sizes = [1, 8192], strides = [1, 1]} : vector<2x8192xi32> to vector<1x8192xi32>
    %squeeze3A_52 = vector.shape_cast %slice3A : vector<1x8192xi32> to vector<8192xi32>
    %mul3A = arith.constant 1024 : i32
    %mul3A_53 = vector.broadcast %mul3A : i32 to vector<8192xi32>
    %mul3A_54 = arith.muli %squeeze3A_52, %mul3A_53 : vector<8192xi32>
    %slice3A_55 = vector.extract_strided_slice %get3A_51 {offsets = [1, 0], sizes = [1, 8192], strides = [1, 1]} : vector<2x8192xi32> to vector<1x8192xi32>
    %squeeze3A_56 = vector.shape_cast %slice3A_55 : vector<1x8192xi32> to vector<8192xi32>
    %add3A_57 = arith.addi %mul3A_54, %squeeze3A_56 : vector<8192xi32>
    %reshape3A = vector.shape_cast %add3A_57 : vector<8192xi32> to vector<64x128xi32>
    %iota3A = tpu.iota {dimensions = array<i32: 1>} : vector<64x128xi32>
    %and3A = arith.constant 15 : i32
    %and3A_58 = vector.broadcast %and3A : i32 to vector<64x128xi32>
    %and3A_59 = arith.andi %iota3A, %and3A_58 : vector<64x128xi32>
    %broadcast_in_dim3A = arith.constant false
    %broadcast_in_dim3A_60 = vector.broadcast %broadcast_in_dim3A : i1 to vector<64x128xi1>
    %roll3A = arith.constant 127 : i32
    %roll3A_61 = tpu.dynamic_rotate %reshape3A by %roll3A dim 1 : vector<64x128xi32>, i32 -> vector<64x128xi32>
    %eq3A = arith.cmpi eq, %reshape3A, %roll3A_61 : vector<64x128xi32>
    %lt3A = arith.constant 15 : i32
    %lt3A_62 = vector.broadcast %lt3A : i32 to vector<64x128xi32>
    %lt3A_63 = arith.cmpi slt, %and3A_59, %lt3A_62 : vector<64x128xi32>
    %and3A_64 = arith.andi %eq3A, %lt3A_63 : vector<64x128xi1>
    %or3A = arith.ori %broadcast_in_dim3A_60, %and3A_64 : vector<64x128xi1>
    %roll3A_65 = arith.constant 126 : i32
    %roll3A_66 = tpu.dynamic_rotate %reshape3A by %roll3A_65 dim 1 : vector<64x128xi32>, i32 -> vector<64x128xi32>
    %eq3A_67 = arith.cmpi eq, %reshape3A, %roll3A_66 : vector<64x128xi32>
    %lt3A_68 = arith.constant 14 : i32
    %lt3A_69 = vector.broadcast %lt3A_68 : i32 to vector<64x128xi32>
    %lt3A_70 = arith.cmpi slt, %and3A_59, %lt3A_69 : vector<64x128xi32>
    %and3A_71 = arith.andi %eq3A_67, %lt3A_70 : vector<64x128xi1>
    %or3A_72 = arith.ori %or3A, %and3A_71 : vector<64x128xi1>
    %roll3A_73 = arith.constant 125 : i32
    %roll3A_74 = tpu.dynamic_rotate %reshape3A by %roll3A_73 dim 1 : vector<64x128xi32>, i32 -> vector<64x128xi32>
    %eq3A_75 = arith.cmpi eq, %reshape3A, %roll3A_74 : vector<64x128xi32>
    %lt3A_76 = arith.constant 13 : i32
    %lt3A_77 = vector.broadcast %lt3A_76 : i32 to vector<64x128xi32>
    %lt3A_78 = arith.cmpi slt, %and3A_59, %lt3A_77 : vector<64x128xi32>
    %and3A_79 = arith.andi %eq3A_75, %lt3A_78 : vector<64x128xi1>
    %or3A_80 = arith.ori %or3A_72, %and3A_79 : vector<64x128xi1>
    %roll3A_81 = arith.constant 124 : i32
    %roll3A_82 = tpu.dynamic_rotate %reshape3A by %roll3A_81 dim 1 : vector<64x128xi32>, i32 -> vector<64x128xi32>
    %eq3A_83 = arith.cmpi eq, %reshape3A, %roll3A_82 : vector<64x128xi32>
    %lt3A_84 = arith.constant 12 : i32
    %lt3A_85 = vector.broadcast %lt3A_84 : i32 to vector<64x128xi32>
    %lt3A_86 = arith.cmpi slt, %and3A_59, %lt3A_85 : vector<64x128xi32>
    %and3A_87 = arith.andi %eq3A_83, %lt3A_86 : vector<64x128xi1>
    %or3A_88 = arith.ori %or3A_80, %and3A_87 : vector<64x128xi1>
    %roll3A_89 = arith.constant 123 : i32
    %roll3A_90 = tpu.dynamic_rotate %reshape3A by %roll3A_89 dim 1 : vector<64x128xi32>, i32 -> vector<64x128xi32>
    %eq3A_91 = arith.cmpi eq, %reshape3A, %roll3A_90 : vector<64x128xi32>
    %lt3A_92 = arith.constant 11 : i32
    %lt3A_93 = vector.broadcast %lt3A_92 : i32 to vector<64x128xi32>
    %lt3A_94 = arith.cmpi slt, %and3A_59, %lt3A_93 : vector<64x128xi32>
    %and3A_95 = arith.andi %eq3A_91, %lt3A_94 : vector<64x128xi1>
    %or3A_96 = arith.ori %or3A_88, %and3A_95 : vector<64x128xi1>
    %roll3A_97 = arith.constant 122 : i32
    %roll3A_98 = tpu.dynamic_rotate %reshape3A by %roll3A_97 dim 1 : vector<64x128xi32>, i32 -> vector<64x128xi32>
    %eq3A_99 = arith.cmpi eq, %reshape3A, %roll3A_98 : vector<64x128xi32>
    %lt3A_100 = arith.constant 10 : i32
    %lt3A_101 = vector.broadcast %lt3A_100 : i32 to vector<64x128xi32>
    %lt3A_102 = arith.cmpi slt, %and3A_59, %lt3A_101 : vector<64x128xi32>
    %and3A_103 = arith.andi %eq3A_99, %lt3A_102 : vector<64x128xi1>
    %or3A_104 = arith.ori %or3A_96, %and3A_103 : vector<64x128xi1>
    %roll3A_105 = arith.constant 121 : i32
    %roll3A_106 = tpu.dynamic_rotate %reshape3A by %roll3A_105 dim 1 : vector<64x128xi32>, i32 -> vector<64x128xi32>
    %eq3A_107 = arith.cmpi eq, %reshape3A, %roll3A_106 : vector<64x128xi32>
    %lt3A_108 = arith.constant 9 : i32
    %lt3A_109 = vector.broadcast %lt3A_108 : i32 to vector<64x128xi32>
    %lt3A_110 = arith.cmpi slt, %and3A_59, %lt3A_109 : vector<64x128xi32>
    %and3A_111 = arith.andi %eq3A_107, %lt3A_110 : vector<64x128xi1>
    %or3A_112 = arith.ori %or3A_104, %and3A_111 : vector<64x128xi1>
    %roll3A_113 = arith.constant 120 : i32
    %roll3A_114 = tpu.dynamic_rotate %reshape3A by %roll3A_113 dim 1 : vector<64x128xi32>, i32 -> vector<64x128xi32>
    %eq3A_115 = arith.cmpi eq, %reshape3A, %roll3A_114 : vector<64x128xi32>
    %lt3A_116 = arith.constant 8 : i32
    %lt3A_117 = vector.broadcast %lt3A_116 : i32 to vector<64x128xi32>
    %lt3A_118 = arith.cmpi slt, %and3A_59, %lt3A_117 : vector<64x128xi32>
    %and3A_119 = arith.andi %eq3A_115, %lt3A_118 : vector<64x128xi1>
    %or3A_120 = arith.ori %or3A_112, %and3A_119 : vector<64x128xi1>
    %roll3A_121 = arith.constant 119 : i32
    %roll3A_122 = tpu.dynamic_rotate %reshape3A by %roll3A_121 dim 1 : vector<64x128xi32>, i32 -> vector<64x128xi32>
    %eq3A_123 = arith.cmpi eq, %reshape3A, %roll3A_122 : vector<64x128xi32>
    %lt3A_124 = arith.constant 7 : i32
    %lt3A_125 = vector.broadcast %lt3A_124 : i32 to vector<64x128xi32>
    %lt3A_126 = arith.cmpi slt, %and3A_59, %lt3A_125 : vector<64x128xi32>
    %and3A_127 = arith.andi %eq3A_123, %lt3A_126 : vector<64x128xi1>
    %or3A_128 = arith.ori %or3A_120, %and3A_127 : vector<64x128xi1>
    %roll3A_129 = arith.constant 118 : i32
    %roll3A_130 = tpu.dynamic_rotate %reshape3A by %roll3A_129 dim 1 : vector<64x128xi32>, i32 -> vector<64x128xi32>
    %eq3A_131 = arith.cmpi eq, %reshape3A, %roll3A_130 : vector<64x128xi32>
    %lt3A_132 = arith.constant 6 : i32
    %lt3A_133 = vector.broadcast %lt3A_132 : i32 to vector<64x128xi32>
    %lt3A_134 = arith.cmpi slt, %and3A_59, %lt3A_133 : vector<64x128xi32>
    %and3A_135 = arith.andi %eq3A_131, %lt3A_134 : vector<64x128xi1>
    %or3A_136 = arith.ori %or3A_128, %and3A_135 : vector<64x128xi1>
    %roll3A_137 = arith.constant 117 : i32
    %roll3A_138 = tpu.dynamic_rotate %reshape3A by %roll3A_137 dim 1 : vector<64x128xi32>, i32 -> vector<64x128xi32>
    %eq3A_139 = arith.cmpi eq, %reshape3A, %roll3A_138 : vector<64x128xi32>
    %lt3A_140 = arith.constant 5 : i32
    %lt3A_141 = vector.broadcast %lt3A_140 : i32 to vector<64x128xi32>
    %lt3A_142 = arith.cmpi slt, %and3A_59, %lt3A_141 : vector<64x128xi32>
    %and3A_143 = arith.andi %eq3A_139, %lt3A_142 : vector<64x128xi1>
    %or3A_144 = arith.ori %or3A_136, %and3A_143 : vector<64x128xi1>
    %roll3A_145 = arith.constant 116 : i32
    %roll3A_146 = tpu.dynamic_rotate %reshape3A by %roll3A_145 dim 1 : vector<64x128xi32>, i32 -> vector<64x128xi32>
    %eq3A_147 = arith.cmpi eq, %reshape3A, %roll3A_146 : vector<64x128xi32>
    %lt3A_148 = arith.constant 4 : i32
    %lt3A_149 = vector.broadcast %lt3A_148 : i32 to vector<64x128xi32>
    %lt3A_150 = arith.cmpi slt, %and3A_59, %lt3A_149 : vector<64x128xi32>
    %and3A_151 = arith.andi %eq3A_147, %lt3A_150 : vector<64x128xi1>
    %or3A_152 = arith.ori %or3A_144, %and3A_151 : vector<64x128xi1>
    %roll3A_153 = arith.constant 115 : i32
    %roll3A_154 = tpu.dynamic_rotate %reshape3A by %roll3A_153 dim 1 : vector<64x128xi32>, i32 -> vector<64x128xi32>
    %eq3A_155 = arith.cmpi eq, %reshape3A, %roll3A_154 : vector<64x128xi32>
    %lt3A_156 = arith.constant 3 : i32
    %lt3A_157 = vector.broadcast %lt3A_156 : i32 to vector<64x128xi32>
    %lt3A_158 = arith.cmpi slt, %and3A_59, %lt3A_157 : vector<64x128xi32>
    %and3A_159 = arith.andi %eq3A_155, %lt3A_158 : vector<64x128xi1>
    %or3A_160 = arith.ori %or3A_152, %and3A_159 : vector<64x128xi1>
    %roll3A_161 = arith.constant 114 : i32
    %roll3A_162 = tpu.dynamic_rotate %reshape3A by %roll3A_161 dim 1 : vector<64x128xi32>, i32 -> vector<64x128xi32>
    %eq3A_163 = arith.cmpi eq, %reshape3A, %roll3A_162 : vector<64x128xi32>
    %lt3A_164 = arith.constant 2 : i32
    %lt3A_165 = vector.broadcast %lt3A_164 : i32 to vector<64x128xi32>
    %lt3A_166 = arith.cmpi slt, %and3A_59, %lt3A_165 : vector<64x128xi32>
    %and3A_167 = arith.andi %eq3A_163, %lt3A_166 : vector<64x128xi1>
    %or3A_168 = arith.ori %or3A_160, %and3A_167 : vector<64x128xi1>
    %roll3A_169 = arith.constant 113 : i32
    %roll3A_170 = tpu.dynamic_rotate %reshape3A by %roll3A_169 dim 1 : vector<64x128xi32>, i32 -> vector<64x128xi32>
    %eq3A_171 = arith.cmpi eq, %reshape3A, %roll3A_170 : vector<64x128xi32>
    %lt3A_172 = arith.constant 1 : i32
    %lt3A_173 = vector.broadcast %lt3A_172 : i32 to vector<64x128xi32>
    %lt3A_174 = arith.cmpi slt, %and3A_59, %lt3A_173 : vector<64x128xi32>
    %and3A_175 = arith.andi %eq3A_171, %lt3A_174 : vector<64x128xi1>
    %or3A_176 = arith.ori %or3A_168, %and3A_175 : vector<64x128xi1>
    %jit3A = arith.constant -1 : i32
    %broadcast_in_dim3A_177 = vector.broadcast %jit3A : i32 to vector<64x128xi32>
    %select_n3A = arith.select %or3A_176, %broadcast_in_dim3A_177, %reshape3A : vector<64x128xi1>, vector<64x128xi32>
    %reshape3A_178 = vector.shape_cast %select_n3A : vector<64x128xi32> to vector<8192xi32>
    %swap3A_179 = arith.constant 0 : index
    %swap3A_180 = vector.load %arg12[%swap3A_179] : memref<8192xi32, #tpu.memory_space<vmem>>, vector<8192xi32>
    tpu.vector_store %arg12[%swap3A_179], %reshape3A_178 {strides = array<i32>} : memref<8192xi32, #tpu.memory_space<vmem>>, vector<8192xi32>,
    return
  }
  func.func @transform_0(%arg0: i32) -> (i32, i32) {
    %c0_i32 = arith.constant 0 : i32
    %c0_i32_0 = arith.constant 0 : i32
    return %c0_i32, %arg0 : i32, i32
  }
  func.func @transform_1(%arg0: i32) -> (i32, i32) {
    %c0_i32 = arith.constant 0 : i32
    %c0_i32_0 = arith.constant 0 : i32
    return %c0_i32, %arg0 : i32, i32
  }
  func.func @transform_2(%arg0: i32) -> (i32, i32) {
    %c0_i32 = arith.constant 0 : i32
    %c0_i32_0 = arith.constant 0 : i32
    %c0_i32_1 = arith.constant 0 : i32
    return %c0_i32, %c0_i32_0 : i32, i32
  }
  func.func @transform_3(%arg0: i32) -> (i32, i32) {
    %c0_i32 = arith.constant 0 : i32
    %c0_i32_0 = arith.constant 0 : i32
    %c0_i32_1 = arith.constant 0 : i32
    return %c0_i32, %c0_i32_0 : i32, i32
  }
  func.func @transform_4(%arg0: i32) -> (i32, i32) {
    %c0_i32 = arith.constant 0 : i32
    %c0_i32_0 = arith.constant 0 : i32
    %c0_i32_1 = arith.constant 0 : i32
    return %c0_i32, %c0_i32_0 : i32, i32
  }
  func.func @transform_5(%arg0: i32) -> (i32, i32) {
    %c0_i32 = arith.constant 0 : i32
    %c0_i32_0 = arith.constant 0 : i32
    %c0_i32_1 = arith.constant 0 : i32
    return %c0_i32, %c0_i32_0 : i32, i32
  }
  func.func @transform_6(%arg0: i32) -> (i32, i32) {
    %c0_i32 = arith.constant 0 : i32
    %c0_i32_0 = arith.constant 0 : i32
    %c0_i32_1 = arith.constant 0 : i32
    return %c0_i32, %c0_i32_0 : i32, i32
  }
  func.func @transform_7(%arg0: i32) -> (i32, i32) {
    %c0_i32 = arith.constant 0 : i32
    %c0_i32_0 = arith.constant 0 : i32
    %c0_i32_1 = arith.constant 0 : i32
    return %c0_i32, %c0_i32_0 : i32, i32
  }
  func.func @transform_8(%arg0: i32) -> (i32, i32) {
    %c0_i32 = arith.constant 0 : i32
    %c0_i32_0 = arith.constant 0 : i32
    %c0_i32_1 = arith.constant 0 : i32
    return %c0_i32, %c0_i32_0 : i32, i32
  }
  func.func @transform_9(%arg0: i32) -> (i32, i32) {
    %c0_i32 = arith.constant 0 : i32
    %c0_i32_0 = arith.constant 0 : i32
    %c0_i32_1 = arith.constant 0 : i32
    return %c0_i32, %c0_i32_0 : i32, i32
  }
  func.func @transform_10(%arg0: i32) -> i32 {
    %c0_i32 = arith.constant 0 : i32
    return %arg0 : i32
  }
  func.func @transform_11(%arg0: i32) -> i32 {
    %c0_i32 = arith.constant 0 : i32
    return %arg0 : i32
  }
}

</mosaic_0001>

<sc_bundles>
// kernel: kernel.4.cloned.1.call-start
scs
__scs_entry_jumppad:
0x0: {  	(pc) =	sbr.rel $0x88, $3  }
0x1: {  	(tag) =	ssettag $0x0;
	lr =	simm.s32 $0x1  }
0x2: {  	[smem:$0x3F97] =	sst lr;
	_ =	strace $0xD0000000  }
0x3: {  	_ = 	snop  }
0x4: {  	_ = 	snop  }
0x5: {  	_ = 	snop  }
0x6: {  	_ = 	snop  }
0x7: {  	_ = 	snop  }
__scs_overlays_trampoline_lowered:
0x8: {  	[smem:$0x3FA6] =	sst s0  }
0x9: {  	[smem:$0x3FA7] =	sst s1  }
0xa: {  	[smem:$0x3FA8] =	sst s2  }
0xb: {  	[smem:$0x3FA9] =	sst s3  }
0xc: {  	[smem:$0x3FAA] =	sst s4  }
0xd: {  	[smem:$0x3FAB] =	sst s5  }
0xe: {  	[smem:$0x3FAC] =	sst s6  }
0xf: {  	[smem:$0x3FAD] =	sst s7  }
0x10: {  	[smem:$0x3FAE] =	sst s8  }
0x11: {  	[smem:$0x3FAF] =	sst s9;
	s0 =	simm.s32 @!p0 $0x0  }
0x12: {  	s1 =	sld [smem:$0x3F95];
	s0 =	simm.s32 @p0 $0x1  }
0x13: {  	[smem:$0x3FB0] =	sst s0;
	s0 =	simm.s32 @!p1 $0x0  }
0x14: {  	s2 =	sld [smem:$0x3F94];
	s0 =	simm.s32 @p1 $0x1  }
0x15: {  	[smem:$0x3FB1] =	sst s0;
	s0 =	simm.s32 @!p2 $0x0  }
0x16: {  	s3 =	sld [smem:$0x3FDB];
	s0 =	simm.s32 @p2 $0x1  }
0x17: {  	s4 =	simm.s32 $0x1BF5;
	[smem:$0x3FB3] =	sst s0  }
0x18: {  	s0 =	sld [smem:$0x3F96];
	_ =	swait.ge [sflag:s4], $0x0  }
0x19: {  	s7 =	sld [smem:$0x3F97]  }
0x1a: {  	s8 =	sadd.s32 $0xFFFFE003, lr  }
0x1b: {  	s9 =	sadd.s32 $0xFFFFFEF7, lr;
	s5 =	simm.s32 $0xFFFFFFFF;
	p2 =	slt.u32 s8, $0xFFFFF086  }
0x1c: {  	p1 =	slt.u32 s9, $0xF7A;
	s5 =	simm.s32 @!p2 $0x0  }
0x1d: {  	s5 =	simm.s32 @p1 $0x1;
	p0 =	seq.s32 s7, s2  }
0x1e: {  	s7 =	smul.u32 @!p0 $0xF7A, s2;
	p2 =	seq.s32 @!p0 s5, $0x0  }
0x1f: {  	s9 =	smul.u32 $0xF7A, s1;
	s8 =	simm.s32 @!p0 $0x1BF5;
	p2 =	por !p2, p0  }
0x20: {  	[sflag:s8] =	ssyncset.s32 @!p0 $0xFFFFF086;
	s6 =	sadd.s32 @!p0 s3, s7;
	s7 =	simm.s32 @!p0 $0x108  }
0x21: {  	s3 =	sadd.s32 s3, s9;
	s6 =	sadd.s32 @!p0 $0x88, s6;
	s7 =	simm.s32 @p2 $0x1082  }
0x22: {  	[simem:s7], [sflag:s8] =	dma.local @!p0 [hbm:s6], $0xF7A  }
0x23: {  	s9 =	sor.u32 $0xD0000000, s2;
	s6 =	simm.s32 $0x108;
	_ =	swait.ge @!p0 [sflag:s8], $0x0  }
0x24: {  	s3 =	sadd.s32 $0x88, s3;
	s6 =	simm.s32 @!p1 $0x1082;
	[sflag:s4] =	ssyncset.s32 $0xFFFFF086  }
0x25: {  	[simem:s6], [sflag:s4] =	dma.local [hbm:s3], $0xF7A  }
0x26: {  	[smem:$0x3F97] =	sst s1;
	(tag) =	ssettag s2;
	_ =	strace s9  }
0x27: {  	s1 =	sld [smem:$0x3FA7]  }
0x28: {  	s2 =	sld [smem:$0x3FA8]  }
0x29: {  	s4 =	sld [smem:$0x3FAA]  }
0x2a: {  	p0 =	seq.s32 s5, $0x0;
	s5 =	sld [smem:$0x3FAB]  }
0x2b: {  	s6 =	sld [smem:$0x3FAC]  }
0x2c: {  	s7 =	sld [smem:$0x3FAD]  }
0x2d: {  	s3 =	simm.s32 $0x108;
	s8 =	sld [smem:$0x3FAE]  }
0x2e: {  	s3 =	simm.s32 @!p0 $0x1082;
	s9 =	sld [smem:$0x3FAF]  }
0x2f: {  	lr =	sadd.s32 s0, s3;
	s0 =	sld [smem:$0x3FA6]  }
0x30: {  	s3 =	sld [smem:$0x3FA9]  }
0x31: {  	[smem:$0x3FB2] =	sst s10  }
0x32: {  	s10 =	sld [smem:$0x3FB0];
	_ =	sdelay $0x3  }
0x33: {  	p0 =	seq.s32 s10, $0x1;
	s10 =	sld [smem:$0x3FB2];
	_ =	sdelay $0x3  }
0x34: {  	[smem:$0x3FB2] =	sst s10  }
0x35: {  	s10 =	sld [smem:$0x3FB1];
	_ =	sdelay $0x3  }
0x36: {  	p1 =	seq.s32 s10, $0x1;
	s10 =	sld [smem:$0x3FB2];
	_ =	sdelay $0x3  }
0x37: {  	[smem:$0x3FB2] =	sst s10  }
0x38: {  	s10 =	sld [smem:$0x3FB3]  }
0x39: {  	_ = 	snop;
	(pc) =	sbr.ind lr, $3  }
0x3a: {  	_ = 	snop  }
0x3b: {  	_ = 	snop  }
0x3c: {  	p2 =	seq.s32 s10, $0x1;
	s10 =	sld [smem:$0x3FB2]  }
0x3d: {  	_ =	shalt  }
0x3e: {  	_ =	shalt  }
0x3f: {  	_ =	shalt  }
0x40: {  	_ =	shalt  }
0x41: {  	_ =	shalt  }
0x42: {  	_ =	shalt  }
0x43: {  	_ =	shalt  }
0x44: {  	_ =	shalt  }
0x45: {  	_ =	shalt  }
0x46: {  	_ =	shalt  }
0x47: {  	_ =	shalt  }
0x48: {  	_ =	shalt  }
0x49: {  	_ =	shalt  }
0x4a: {  	_ =	shalt  }
0x4b: {  	_ =	shalt  }
0x4c: {  	_ =	shalt  }
0x4d: {  	_ =	shalt  }
0x4e: {  	_ =	shalt  }
0x4f: {  	_ =	shalt  }
0x50: {  	_ =	shalt  }
0x51: {  	_ =	shalt  }
0x52: {  	_ =	shalt  }
0x53: {  	_ =	shalt  }
0x54: {  	_ =	shalt  }
0x55: {  	_ =	shalt  }
0x56: {  	_ =	shalt  }
0x57: {  	_ =	shalt  }
0x58: {  	_ =	shalt  }
0x59: {  	_ =	shalt  }
0x5a: {  	_ =	shalt  }
0x5b: {  	_ =	shalt  }
0x5c: {  	_ =	shalt  }
0x5d: {  	_ =	shalt  }
0x5e: {  	_ =	shalt  }
0x5f: {  	_ =	shalt  }
0x60: {  	_ =	shalt  }
0x61: {  	_ =	shalt  }
0x62: {  	_ =	shalt  }
0x63: {  	_ =	shalt  }
0x64: {  	_ =	shalt  }
0x65: {  	_ =	shalt  }
0x66: {  	_ =	shalt  }
0x67: {  	_ =	shalt  }
0x68: {  	_ =	shalt  }
0x69: {  	_ =	shalt  }
0x6a: {  	_ =	shalt  }
0x6b: {  	_ =	shalt  }
0x6c: {  	_ =	shalt  }
0x6d: {  	_ =	shalt  }
0x6e: {  	_ =	shalt  }
0x6f: {  	_ =	shalt  }
0x70: {  	_ =	shalt  }
0x71: {  	_ =	shalt  }
0x72: {  	_ =	shalt  }
0x73: {  	_ =	shalt  }
0x74: {  	_ =	shalt  }
0x75: {  	_ =	shalt  }
0x76: {  	_ =	shalt  }
0x77: {  	_ =	shalt  }
0x78: {  	_ =	shalt  }
0x79: {  	_ =	shalt  }
0x7a: {  	_ =	shalt  }
0x7b: {  	_ =	shalt  }
0x7c: {  	_ =	shalt  }
0x7d: {  	_ =	shalt  }
0x7e: {  	_ =	shalt  }
0x7f: {  	_ =	shalt  }
0x80: {  	_ =	shalt  }
0x81: {  	_ =	shalt  }
0x82: {  	_ =	shalt  }
0x83: {  	_ =	shalt  }
0x84: {  	_ =	shalt  }
0x85: {  	_ =	shalt  }
0x86: {  	_ =	shalt  }
0x87: {  	_ =	shalt  }
.Lfunc_end0:
.L_simem_size_0:
called_computation_lowered:
.L_overlay_start_0:
0x88: {  	s2 =	sld [smem:$0x3FD9]  }
0x89: {  	s3 =	sld [smem:$0x3FFE];
	_ =	sdelay $0x1  }
0x8a: {  	s1 =	srdreg.scid  }
0x8b: {  	s0 =	sand.u32 $0x1, s1  }
0x8c: {  	s14 =	sshll.u32 s0, $0xA;
	s2 =	sadd.s32 s3, s2  }
0x8d: {  	s2 =	sadd.s32 s2, s14  }
0x8e: {  	[smem:$0x3FBE] =	sst s2  }
0x8f: {  	_ = 	snop  }
0x90: {  	s2 =	sld [smem:$0x3FD0];
	_ =	sdelay $0x2  }
0x91: {  	s15 =	simm.s32 $0xA;
	s4 =	simm.s32 $0x10  }
0x92: {  	[smem:s4], [sflag:s15] =	dma.local [hbm:s2], $0x1  }
0x93: {  	_ =	swait.eq [sflag:s15], $0x1  }
0x94: {  	[sflag:s15] =	ssyncset.done $0x0  }
0x95: {  	[sflag:s15] =	ssyncadd.s32 $0xFFFFFFFF  }
0x96: {  	s16 =	sld [smem:$0x10];
	(tm) =	ssettm $0x1  }
0x97: {  	s17 =	sld [smem:$0x3FFB];
	_ =	sdelay $0x3  }
0x98: {  	_ =	strace s17  }
0x99: {  	s3 =	sld [smem:$0x3FFC];
	_ =	sdelay $0x3  }
0x9a: {  	_ =	strace s3  }
0x9b: {  	s3 =	sld [smem:$0x3FFD];
	_ =	sdelay $0x3  }
0x9c: {  	_ =	strace s3  }
0x9d: {  	_ =	strace $0x8FFFFFFF  }
0x9e: {  	s18 =	sld [smem:$0x3FDB];
	_ =	sdelay $0x1  }
0x9f: {  	s19 =	simm.s32 $_scs_section_size  }
0xa0: {  	s5 =	simm.s32 $_size__tile_overlayer_lowered;
	s6 =	simm.s32 $_tile_overlayer_lowered  }
0xa1: {  	s22 =	simm.s32 $0x1BFF;
	s21 =	sshll.u32 s6, $0x1;
	s3 =	sadd.s32 s19, s18  }
0xa2: {  	s7 =	simm.s32 $0x0;
	s20 =	sshll.u32 s5, $0x1;
	s5 =	sadd.s32 s21, s3  }
0xa3: {  	[timem:s7], [sflag:s22] =	dma.local [hbm:s5], s20  }
0xa4: {  	_ =	swait.ge [sflag:s22], s20  }
0xa5: {  	s4 =	ssub.s32 $0x0, s20;
	[sflag:s22] =	ssyncset.done $0x0  }
0xa6: {  	[sflag:s22] =	ssyncadd.s32 s4;
	_ =	sdelay $0x1  }
0xa7: {  	s23 =	simm.s32 $0x1B8B  }
0xa8: {  	_ =	swait.ge [sflag:s23], $0x1  }
0xa9: {  	[sflag:s23] =	ssyncset.done $0x0  }
0xaa: {  	s25 =	simm.s32 $0x1B8E;
	s24 =	sld [smem:$0x3FFE];
	[sflag:s23] =	ssyncadd.s32 $0xFFFFFFFF  }
0xab: {  	s26 =	simm.s32 $execute0_lowered;
	[smem:$0x3FD2] =	sst s25  }
0xac: {  	s5 =	sshll.u32 s26, $0x1;
	_ =	strace $0x80000046;
	[dreg:$0x1] =	wrdreg $0xFFFFFFFF  }
0xad: {  	s28 =	simm.s32 $_size_execute0_lowered;
	s3 =	sadd.s32 s3, s5;
	[dreg:$0x0] =	wrdreg $0x0  }
0xae: {  	s5 =	sshll.u32 s28, $0x1;
	[dreg:$0x2] =	wrdreg s3  }
0xaf: {  	[dreg:$0x3] =	wrdreg s5  }
0xb0: {  	[dreg:$0x4] =	wrdreg $0xC0  }
0xb1: {  	_ =	task [dreg:s7], $0x5FFFF  }
0xb2: {  	[dreg:$0x1] =	wrdreg $0xFFFFFFFF  }
0xb3: {  	[dreg:$0x0] =	wrdreg $0x60  }
0xb4: {  	[dreg:$0x2] =	wrdreg s24  }
0xb5: {  	[dreg:$0x3] =	wrdreg s16  }
0xb6: {  	[dreg:$0x4] =	wrdreg $0x12B800  }
0xb7: {  	[dreg:$0x5] =	wrdreg $0x9  }
0xb8: {  	_ =	task.clear_ibuf [dreg:s7], $0x6FFFF;
	_ =	strace $0x90000046  }
0xb9: {  	s29 =	simm.s32 $0x9;
	_ =	strace $0x80000048  }
0xba: {  	_ =	swait.ge [sflag:s29], $0x1  }
0xbb: {  	[sflag:s29] =	ssyncadd.s32 $0xFFFFFFFF  }
0xbc: {  	_ =	strace $0x90000048  }
0xbd: {  	_ =	sfence  }
0xbe: {  	s30 =	sld [smem:$0x0];
	_ =	sdelay $0x2  }
0xbf: {  	s31 =	sshll.u32 s1, $0xD;
	s1 =	sshrl.u32 s1, $0x2  }
0xc0: {  	s3 =	sand.u32 $0x4000, s31;
	s1 =	sadd.s32 s1, s30  }
0xc1: {  	s0 =	sor.u32 s3, s0;
	s1 =	sshll.u32 s1, $0x11  }
0xc2: {  	s0 =	sor.u32 s1, s0  }
0xc3: {  	s0 =	sadd.s32 $0x8F2B, s0  }
0xc4: {  	[sflag:s0] =	ssyncadd.remote.s32 $0x1  }
0xc5: {  	_ =	sfence.sel $0xFFFF  }
0xc6: {  	[dreg:$0x0] =	wrdreg $0xFFFFFFFF;
	(pc) =	sbr.abs _section_cstart, $3  }
0xc7: {  	[dreg:$0x1] =	wrdreg $0xFFFFFFFF  }
0xc8: {  	_ =	task.clear_ibuf [dreg:s7], $0x2FFFF;
	_ =	strace $0x9FFFFFFF  }
0xc9: {  	(tm) =	ssettm $0x7FFFFFFF  }
tec
execute0_lowered:
.L_overlay_start_1:
0x0: {  	(tag) =	ssettag $0x1  }
0x1: {  	s0 =	rddreg [dreg:$0x0]  }
0x2: {  	s2 =	rddreg [dreg:$0x1]  }
0x3: {  	s7 =	rddreg [dreg:$0x2]  }
0x4: {  	s1 =	simm.s32 $0x0;
	s4 =	srdreg.scid;
	s16 =	stileid.u32  }
0x5: {  	s11 =	simm.s32 $0xA800;
	s12 =	simm.s32 $0xCF80;
	s13 =	simm.s32 $0xF700  }
0x6: {  	s14 =	simm.s32 $0x1;
	s15 =	simm.s32 $0x2;
	s17 =	simm.s32 $0x3  }
0x7: {  	s18 =	simm.s32 $0x80;
	s19 =	simm.s32 $0x400;
	s20 =	simm.s32 $0x11E80  }
0x8: {  	s23 =	simm.s32 $0x12B00;
	s24 =	simm.s32 $0x0;
	[smem:$0x7FF] =	sst s1  }
0x9: {  	s3 =	sadd.s32 $0x1400, s0;
	s6 =	sand.u32 $0x1, s4;
	s4 =	sadd.s32 $0x10A00, s0  }
0xa: {  	s8 =	sshll.u32 s16, $0x4;
	s29 =	sshll.u32 s16, $0xD;
	s30 =	sshll.u32 s16, $0xA  }
0xb: {  	p0 =	sgt.u32 s16, $0x7;
	_ =	strace $0x80000047;
	s5 =	sshll.u32 s6, $0x4  }
0xc: {  	s9 =	ssub.s32 $0x2, s6;
	s0 =	sadd.s32 s8, s0;
	s31 =	sshll.u32 s6, $0x7  }
.Ltmp0:
0xd: {  	s6 =	sadd.s32 s29, s7;
	s7 =	sadd.s32 s30, s7;
	(pc) =	sbr.rel .LBB2_1-.Ltmp0, $4  }
0xe: {  	s5 =	sor.u32 s16, s5;
	s28 =	sshrl.u32 s9, $0x1;
	s0 =	sadd.s32 s31, s0  }
0xf: {  	s16 =	simm.s32 $0x12280;
	s10 =	sshll.u32 s5, $0x2;
	s9 =	ssub.s32 s9, s28  }
0x10: {  	s22 =	sshll.u32 s5, $0xF;
	s8 =	sadd.s32 $0x20000, s0;
	s5 =	sadd.s32 s2, s10  }
0x11: {  	v1 =	vimm.f32 $-9.999000000e+03;
	v2 =	vlaneseq.u32;
	s9 =	smax.u32 s9, $0x1;
	s10 =	simm.s32 $0x8080;
	v0 =	vmov s22;
	s22 =	simm.s32 $0x12300  }
.LBB2_17:
0x12: {  	s24 =	sadd.s32 $0x1, s24  }
0x13: {  	p1 =	sne.s32 s24, s9  }
.Ltmp1:
0x14: {  	_ = 	snop;
	(pc) =	sbr.rel @!p1 .LBB2_18-.Ltmp1, $1  }
0x15: {  	_ =	sdelay $0x3  }
.LBB2_1:
0x16: {  	s0 =	simm.s32 $0x0;
	s25 =	simm.s32 $0x200  }
.LBB2_2:
0x17: {  	p1 =	sne.s32 s25, $0x1FE00;
	[tilespmem:s0+$0x70] =	vst v1  }
0x18: {  	[tilespmem:s0+$0x0] =	vst v1  }
0x19: {  	[tilespmem:s0+$0x10] =	vst v1  }
.Ltmp2:
0x1a: {  	[tilespmem:s0+$0x20] =	vst v1;
	(pc) =	sbr.rel @p1 .LBB2_2-.Ltmp2, $4  }
0x1b: {  	[tilespmem:s0+$0x30] =	vst v1  }
0x1c: {  	[tilespmem:s0+$0x40] =	vst v1  }
0x1d: {  	[tilespmem:s0+$0x50] =	vst v1  }
0x1e: {  	[tilespmem:s0+$0x60] =	vst v1;
	s0 =	sshra.s32 s25, $0x2;
	s25 =	sadd.s32 $0x200, s25  }
0x1f: {  	[tilespmem:s0+$0x70] =	vst v1  }
0x20: {  	[tilespmem:s0+$0x0] =	vst v1  }
0x21: {  	[tilespmem:s0+$0x10] =	vst v1  }
0x22: {  	[tilespmem:s0+$0x20] =	vst v1  }
0x23: {  	[tilespmem:s0+$0x30] =	vst v1  }
0x24: {  	[tilespmem:s0+$0x40] =	vst v1  }
0x25: {  	[tilespmem:s0+$0x50] =	vst v1  }
0x26: {  	[tilespmem:s0+$0x60] =	vst v1;
	s25 =	simm.s32 $0x0  }
0x27: {  	[tilespmem:s10], [sflag:$0x1] =	stream.linear.gather [hbm4b:s3+s25], $0x2710, $0x38;
	[tilespmem:$0x14B80] =	vst v63  }
0x28: {  	s26 =	simm.s32 $0x0  }
0x29: {  	[tilespmem:s11], [sflag:$0x1] =	stream.linear.gather [hbm4b:s4+s25], $0x2710, $0x38;
	[tilespmem:$0x14B80] =	vst v63  }
.LBB2_4:
0x2a: {  	s28 =	smul.u32 $0x4E20, s26;
	_ =	sdelay $0x1  }
0x2b: {  	s0 =	sshrl.u32 s28, $0x3  }
0x2c: {  	s0 =	sadd.s32 $0x4E2, s0  }
0x2d: {  	s2 =	sadd.s32 s3, s0  }
0x2e: {  	[tilespmem:s12], [sflag:$0x2] =	stream.linear.gather [hbm4b:s2+s25], $0x2710, $0x38;
	[tilespmem:$0x14B80] =	vst v63  }
0x2f: {  	s0 =	sadd.s32 s4, s0  }
0x30: {  	[tilespmem:s13], [sflag:$0x2] =	stream.linear.gather [hbm4b:s0+s25], $0x2710, $0x38;
	[tilespmem:$0x14B80] =	vst v63  }
0x31: {  	_ =	swait.ge [sflag:s14], $0x2710  }
0x32: {  	[sflag:s14] =	ssyncset.done $0x0  }
0x33: {  	[sflag:s14] =	ssyncadd.s32 $0xFFFFD8F0  }
0x34: {  	_ =	swait.ge [sflag:s14], $0x2710  }
0x35: {  	s29 =	simm.s32 $0xA8C0;
	[sflag:s14] =	ssyncset.done $0x0  }
0x36: {  	s30 =	simm.s32 $0x8140;
	s31 =	simm.s32 $0x0;
	[sflag:s14] =	ssyncadd.s32 $0xFFFFD8F0  }
.LBB2_5:
0x37: {  	v3 =	vld [tilespmem:s30+$0xFFFFFF40];
	_ =	sdelay $0x4  }
0x38: {  	v3 =	vsub.s32 v3, v0  }
0x39: {  	v4 =	vld [tilespmem:s29+$0xFFFFFF40];
	v3 =	vmin.u32 v3, $0x8000;
	_ =	sdelay $0x4  }
0x3a: {  	[tilespmem:v3+s1+$0x0] =	vst.idx.msk $0xffff, v4  }
0x3b: {  	v3 =	vld [tilespmem:s30+$0xFFFFFF50];
	_ =	sdelay $0x4  }
0x3c: {  	v3 =	vsub.s32 v3, v0  }
0x3d: {  	v4 =	vld [tilespmem:s29+$0xFFFFFF50];
	v3 =	vmin.u32 v3, $0x8000;
	_ =	sdelay $0x4  }
0x3e: {  	[tilespmem:v3+s1+$0x0] =	vst.idx.msk $0xffff, v4  }
0x3f: {  	v3 =	vld [tilespmem:s30+$0xFFFFFF60];
	_ =	sdelay $0x4  }
0x40: {  	v3 =	vsub.s32 v3, v0  }
0x41: {  	v4 =	vld [tilespmem:s29+$0xFFFFFF60];
	v3 =	vmin.u32 v3, $0x8000;
	_ =	sdelay $0x4  }
0x42: {  	[tilespmem:v3+s1+$0x0] =	vst.idx.msk $0xffff, v4  }
0x43: {  	v3 =	vld [tilespmem:s30+$0xFFFFFF70];
	_ =	sdelay $0x4  }
0x44: {  	v3 =	vsub.s32 v3, v0  }
0x45: {  	v4 =	vld [tilespmem:s29+$0xFFFFFF70];
	v3 =	vmin.u32 v3, $0x8000;
	_ =	sdelay $0x4  }
0x46: {  	[tilespmem:v3+s1+$0x0] =	vst.idx.msk $0xffff, v4  }
0x47: {  	v3 =	vld [tilespmem:s30+$0xFFFFFF80];
	_ =	sdelay $0x4  }
0x48: {  	v3 =	vsub.s32 v3, v0  }
0x49: {  	v4 =	vld [tilespmem:s29+$0xFFFFFF80];
	v3 =	vmin.u32 v3, $0x8000;
	_ =	sdelay $0x4  }
0x4a: {  	[tilespmem:v3+s1+$0x0] =	vst.idx.msk $0xffff, v4  }
0x4b: {  	v3 =	vld [tilespmem:s30+$0xFFFFFF90];
	_ =	sdelay $0x4  }
0x4c: {  	v3 =	vsub.s32 v3, v0  }
0x4d: {  	v4 =	vld [tilespmem:s29+$0xFFFFFF90];
	v3 =	vmin.u32 v3, $0x8000;
	_ =	sdelay $0x4  }
0x4e: {  	[tilespmem:v3+s1+$0x0] =	vst.idx.msk $0xffff, v4  }
0x4f: {  	v3 =	vld [tilespmem:s30+$0xFFFFFFA0];
	_ =	sdelay $0x4  }
0x50: {  	v3 =	vsub.s32 v3, v0  }
0x51: {  	v4 =	vld [tilespmem:s29+$0xFFFFFFA0];
	v3 =	vmin.u32 v3, $0x8000;
	_ =	sdelay $0x4  }
0x52: {  	[tilespmem:v3+s1+$0x0] =	vst.idx.msk $0xffff, v4  }
0x53: {  	v3 =	vld [tilespmem:s30+$0xFFFFFFB0];
	_ =	sdelay $0x4  }
0x54: {  	v3 =	vsub.s32 v3, v0  }
0x55: {  	v4 =	vld [tilespmem:s29+$0xFFFFFFB0];
	v3 =	vmin.u32 v3, $0x8000;
	_ =	sdelay $0x4  }
0x56: {  	s0 =	sand.u32 $0x3FF0, s31;
	[tilespmem:v3+s1+$0x0] =	vst.idx.msk $0xffff, v4  }
0x57: {  	v3 =	vld [tilespmem:s0+$0x8100];
	_ =	sdelay $0x4  }
0x58: {  	v3 =	vsub.s32 v3, v0  }
0x59: {  	v4 =	vld [tilespmem:s0+$0xA880];
	v3 =	vmin.u32 v3, $0x8000;
	_ =	sdelay $0x4  }
0x5a: {  	[tilespmem:v3+s1+$0x0] =	vst.idx.msk $0xffff, v4  }
0x5b: {  	v3 =	vld [tilespmem:s30+$0xFFFFFFD0];
	_ =	sdelay $0x4  }
0x5c: {  	v3 =	vsub.s32 v3, v0  }
0x5d: {  	v4 =	vld [tilespmem:s29+$0xFFFFFFD0];
	v3 =	vmin.u32 v3, $0x8000;
	_ =	sdelay $0x4  }
0x5e: {  	[tilespmem:v3+s1+$0x0] =	vst.idx.msk $0xffff, v4  }
0x5f: {  	v3 =	vld [tilespmem:s30+$0xFFFFFFE0];
	_ =	sdelay $0x4  }
0x60: {  	v3 =	vsub.s32 v3, v0  }
0x61: {  	v4 =	vld [tilespmem:s29+$0xFFFFFFE0];
	v3 =	vmin.u32 v3, $0x8000;
	_ =	sdelay $0x4  }
0x62: {  	[tilespmem:v3+s1+$0x0] =	vst.idx.msk $0xffff, v4  }
0x63: {  	v3 =	vld [tilespmem:s30+$0xFFFFFFF0];
	_ =	sdelay $0x4  }
0x64: {  	v3 =	vsub.s32 v3, v0  }
0x65: {  	v4 =	vld [tilespmem:s29+$0xFFFFFFF0];
	v3 =	vmin.u32 v3, $0x8000;
	_ =	sdelay $0x4  }
0x66: {  	[tilespmem:v3+s1+$0x0] =	vst.idx.msk $0xffff, v4  }
0x67: {  	v3 =	vld [tilespmem:s30+$0x0];
	_ =	sdelay $0x4  }
0x68: {  	v3 =	vsub.s32 v3, v0  }
0x69: {  	v4 =	vld [tilespmem:s29+$0x0];
	v3 =	vmin.u32 v3, $0x8000;
	_ =	sdelay $0x4  }
0x6a: {  	[tilespmem:v3+s1+$0x0] =	vst.idx.msk $0xffff, v4  }
0x6b: {  	v3 =	vld [tilespmem:s30+$0x10];
	_ =	sdelay $0x4  }
0x6c: {  	v3 =	vsub.s32 v3, v0  }
0x6d: {  	v4 =	vld [tilespmem:s29+$0x10];
	v3 =	vmin.u32 v3, $0x8000;
	_ =	sdelay $0x4  }
0x6e: {  	[tilespmem:v3+s1+$0x0] =	vst.idx.msk $0xffff, v4  }
0x6f: {  	v3 =	vld [tilespmem:s30+$0x20];
	_ =	sdelay $0x4  }
0x70: {  	v3 =	vsub.s32 v3, v0  }
0x71: {  	v4 =	vld [tilespmem:s29+$0x20];
	v3 =	vmin.u32 v3, $0x8000;
	_ =	sdelay $0x4  }
0x72: {  	[tilespmem:v3+s1+$0x0] =	vst.idx.msk $0xffff, v4  }
0x73: {  	v3 =	vld [tilespmem:s30+$0x30];
	_ =	sdelay $0x4  }
0x74: {  	v3 =	vsub.s32 v3, v0  }
0x75: {  	v4 =	vld [tilespmem:s29+$0x30];
	v3 =	vmin.u32 v3, $0x8000;
	_ =	sdelay $0x4  }
0x76: {  	[tilespmem:v3+s1+$0x0] =	vst.idx.msk $0xffff, v4  }
0x77: {  	v3 =	vld [tilespmem:s0+$0x8180];
	_ =	sdelay $0x4  }
0x78: {  	v3 =	vsub.s32 v3, v0  }
0x79: {  	v4 =	vld [tilespmem:s0+$0xA900];
	v3 =	vmin.u32 v3, $0x8000;
	_ =	sdelay $0x4  }
0x7a: {  	[tilespmem:v3+s1+$0x0] =	vst.idx.msk $0xffff, v4  }
0x7b: {  	v3 =	vld [tilespmem:s30+$0x50];
	_ =	sdelay $0x4  }
0x7c: {  	v3 =	vsub.s32 v3, v0  }
0x7d: {  	v4 =	vld [tilespmem:s29+$0x50];
	v3 =	vmin.u32 v3, $0x8000;
	_ =	sdelay $0x4  }
0x7e: {  	[tilespmem:v3+s1+$0x0] =	vst.idx.msk $0xffff, v4  }
0x7f: {  	v3 =	vld [tilespmem:s30+$0x60];
	_ =	sdelay $0x4  }
0x80: {  	v3 =	vsub.s32 v3, v0  }
0x81: {  	v4 =	vld [tilespmem:s29+$0x60];
	v3 =	vmin.u32 v3, $0x8000;
	_ =	sdelay $0x4  }
0x82: {  	[tilespmem:v3+s1+$0x0] =	vst.idx.msk $0xffff, v4  }
0x83: {  	v3 =	vld [tilespmem:s30+$0x70];
	_ =	sdelay $0x4  }
0x84: {  	v3 =	vsub.s32 v3, v0  }
0x85: {  	v4 =	vld [tilespmem:s29+$0x70];
	v3 =	vmin.u32 v3, $0x8000;
	_ =	sdelay $0x4  }
0x86: {  	[tilespmem:v3+s1+$0x0] =	vst.idx.msk $0xffff, v4  }
0x87: {  	v3 =	vld [tilespmem:s30+$0x80];
	_ =	sdelay $0x4  }
0x88: {  	v3 =	vsub.s32 v3, v0  }
0x89: {  	v4 =	vld [tilespmem:s29+$0x80];
	v3 =	vmin.u32 v3, $0x8000;
	_ =	sdelay $0x4  }
0x8a: {  	[tilespmem:v3+s1+$0x0] =	vst.idx.msk $0xffff, v4  }
0x8b: {  	v3 =	vld [tilespmem:s30+$0x90];
	_ =	sdelay $0x4  }
0x8c: {  	v3 =	vsub.s32 v3, v0  }
0x8d: {  	v4 =	vld [tilespmem:s29+$0x90];
	v3 =	vmin.u32 v3, $0x8000;
	_ =	sdelay $0x4  }
0x8e: {  	[tilespmem:v3+s1+$0x0] =	vst.idx.msk $0xffff, v4  }
0x8f: {  	v3 =	vld [tilespmem:s30+$0xA0];
	_ =	sdelay $0x4  }
0x90: {  	v3 =	vsub.s32 v3, v0  }
0x91: {  	v4 =	vld [tilespmem:s29+$0xA0];
	v3 =	vmin.u32 v3, $0x8000;
	_ =	sdelay $0x4  }
0x92: {  	[tilespmem:v3+s1+$0x0] =	vst.idx.msk $0xffff, v4  }
0x93: {  	v3 =	vld [tilespmem:s30+$0xB0];
	_ =	sdelay $0x4  }
0x94: {  	v3 =	vsub.s32 v3, v0  }
0x95: {  	v4 =	vld [tilespmem:s29+$0xB0];
	v3 =	vmin.u32 v3, $0x8000;
	_ =	sdelay $0x4  }
0x96: {  	[tilespmem:v3+s1+$0x0] =	vst.idx.msk $0xffff, v4  }
0x97: {  	v3 =	vld [tilespmem:s0+$0x8200];
	_ =	sdelay $0x4  }
0x98: {  	v3 =	vsub.s32 v3, v0  }
0x99: {  	p1 =	sne.s32 s31, $0x2580;
	v4 =	vld [tilespmem:s0+$0xA980];
	v3 =	vmin.u32 v3, $0x8000  }
.Ltmp3:
0x9a: {  	_ = 	snop;
	(pc) =	sbr.rel @p1 .LBB2_5-.Ltmp3, $2  }
0x9b: {  	_ =	sdelay $0x2  }
0x9c: {  	s31 =	sadd.s32 $0x190, s31;
	s29 =	sadd.s32 $0x190, s29;
	s30 =	sadd.s32 $0x190, s30;
	[tilespmem:v3+s1+$0x0] =	vst.idx.msk $0xffff, v4  }
0x9d: {  	p1 =	seq.s32 s26, $0x18  }
0x9e: {  	s0 =	sshrl.u32 @!p1 s28, $0x3  }
0x9f: {  	s0 =	sadd.s32 @!p1 $0x9C4, s0  }
0xa0: {  	s28 =	simm.s32 @!p1 $0x0;
	s29 =	simm.s32 @!p1 $0x8080;
	s2 =	sadd.s32 @!p1 s3, s0  }
0xa1: {  	[tilespmem:s29], [sflag:$0x1] =	stream.linear.gather @!p1 [hbm4b:s2+s28], $0x2710, $0x38;
	[tilespmem:$0x14B80] =	vst v63  }
0xa2: {  	s0 =	sadd.s32 @!p1 s4, s0;
	s2 =	simm.s32 @!p1 $0xA800  }
0xa3: {  	[tilespmem:s2], [sflag:$0x1] =	stream.linear.gather @!p1 [hbm4b:s0+s28], $0x2710, $0x38;
	[tilespmem:$0x14B80] =	vst v63  }
0xa4: {  	_ =	swait.ge [sflag:s15], $0x2710  }
0xa5: {  	[sflag:s15] =	ssyncset.done $0x0  }
0xa6: {  	[sflag:s15] =	ssyncadd.s32 $0xFFFFD8F0  }
0xa7: {  	_ =	swait.ge [sflag:s15], $0x2710  }
0xa8: {  	s30 =	simm.s32 $0xD040;
	[sflag:s15] =	ssyncset.done $0x0  }
0xa9: {  	s29 =	simm.s32 $0xF7C0;
	s28 =	simm.s32 $0x0;
	[sflag:s15] =	ssyncadd.s32 $0xFFFFD8F0  }
.LBB2_7:
0xaa: {  	v3 =	vld [tilespmem:s30+$0xFFFFFF40];
	_ =	sdelay $0x4  }
0xab: {  	v3 =	vsub.s32 v3, v0  }
0xac: {  	v4 =	vld [tilespmem:s29+$0xFFFFFF40];
	v3 =	vmin.u32 v3, $0x8000;
	_ =	sdelay $0x4  }
0xad: {  	[tilespmem:v3+s1+$0x0] =	vst.idx.msk $0xffff, v4  }
0xae: {  	v3 =	vld [tilespmem:s30+$0xFFFFFF50];
	_ =	sdelay $0x4  }
0xaf: {  	v3 =	vsub.s32 v3, v0  }
0xb0: {  	v4 =	vld [tilespmem:s29+$0xFFFFFF50];
	v3 =	vmin.u32 v3, $0x8000;
	_ =	sdelay $0x4  }
0xb1: {  	[tilespmem:v3+s1+$0x0] =	vst.idx.msk $0xffff, v4  }
0xb2: {  	v3 =	vld [tilespmem:s30+$0xFFFFFF60];
	_ =	sdelay $0x4  }
0xb3: {  	v3 =	vsub.s32 v3, v0  }
0xb4: {  	v4 =	vld [tilespmem:s29+$0xFFFFFF60];
	v3 =	vmin.u32 v3, $0x8000;
	_ =	sdelay $0x4  }
0xb5: {  	[tilespmem:v3+s1+$0x0] =	vst.idx.msk $0xffff, v4  }
0xb6: {  	v3 =	vld [tilespmem:s30+$0xFFFFFF70];
	_ =	sdelay $0x4  }
0xb7: {  	v3 =	vsub.s32 v3, v0  }
0xb8: {  	v4 =	vld [tilespmem:s29+$0xFFFFFF70];
	v3 =	vmin.u32 v3, $0x8000;
	_ =	sdelay $0x4  }
0xb9: {  	[tilespmem:v3+s1+$0x0] =	vst.idx.msk $0xffff, v4  }
0xba: {  	v3 =	vld [tilespmem:s30+$0xFFFFFF80];
	_ =	sdelay $0x4  }
0xbb: {  	v3 =	vsub.s32 v3, v0  }
0xbc: {  	v4 =	vld [tilespmem:s29+$0xFFFFFF80];
	v3 =	vmin.u32 v3, $0x8000;
	_ =	sdelay $0x4  }
0xbd: {  	[tilespmem:v3+s1+$0x0] =	vst.idx.msk $0xffff, v4  }
0xbe: {  	v3 =	vld [tilespmem:s30+$0xFFFFFF90];
	_ =	sdelay $0x4  }
0xbf: {  	v3 =	vsub.s32 v3, v0  }
0xc0: {  	v4 =	vld [tilespmem:s29+$0xFFFFFF90];
	v3 =	vmin.u32 v3, $0x8000;
	_ =	sdelay $0x4  }
0xc1: {  	[tilespmem:v3+s1+$0x0] =	vst.idx.msk $0xffff, v4  }
0xc2: {  	v3 =	vld [tilespmem:s30+$0xFFFFFFA0];
	_ =	sdelay $0x4  }
0xc3: {  	v3 =	vsub.s32 v3, v0  }
0xc4: {  	v4 =	vld [tilespmem:s29+$0xFFFFFFA0];
	v3 =	vmin.u32 v3, $0x8000;
	_ =	sdelay $0x4  }
0xc5: {  	[tilespmem:v3+s1+$0x0] =	vst.idx.msk $0xffff, v4  }
0xc6: {  	v3 =	vld [tilespmem:s30+$0xFFFFFFB0];
	_ =	sdelay $0x4  }
0xc7: {  	v3 =	vsub.s32 v3, v0  }
0xc8: {  	v4 =	vld [tilespmem:s29+$0xFFFFFFB0];
	v3 =	vmin.u32 v3, $0x8000;
	_ =	sdelay $0x4  }
0xc9: {  	s0 =	sand.u32 $0x3FF0, s28;
	[tilespmem:v3+s1+$0x0] =	vst.idx.msk $0xffff, v4  }
0xca: {  	v3 =	vld [tilespmem:s0+$0xD000];
	_ =	sdelay $0x4  }
0xcb: {  	v3 =	vsub.s32 v3, v0  }
0xcc: {  	v4 =	vld [tilespmem:s0+$0xF780];
	v3 =	vmin.u32 v3, $0x8000;
	_ =	sdelay $0x4  }
0xcd: {  	[tilespmem:v3+s1+$0x0] =	vst.idx.msk $0xffff, v4  }
0xce: {  	v3 =	vld [tilespmem:s30+$0xFFFFFFD0];
	_ =	sdelay $0x4  }
0xcf: {  	v3 =	vsub.s32 v3, v0  }
0xd0: {  	v4 =	vld [tilespmem:s29+$0xFFFFFFD0];
	v3 =	vmin.u32 v3, $0x8000;
	_ =	sdelay $0x4  }
0xd1: {  	[tilespmem:v3+s1+$0x0] =	vst.idx.msk $0xffff, v4  }
0xd2: {  	v3 =	vld [tilespmem:s30+$0xFFFFFFE0];
	_ =	sdelay $0x4  }
0xd3: {  	v3 =	vsub.s32 v3, v0  }
0xd4: {  	v4 =	vld [tilespmem:s29+$0xFFFFFFE0];
	v3 =	vmin.u32 v3, $0x8000;
	_ =	sdelay $0x4  }
0xd5: {  	[tilespmem:v3+s1+$0x0] =	vst.idx.msk $0xffff, v4  }
0xd6: {  	v3 =	vld [tilespmem:s30+$0xFFFFFFF0];
	_ =	sdelay $0x4  }
0xd7: {  	v3 =	vsub.s32 v3, v0  }
0xd8: {  	v4 =	vld [tilespmem:s29+$0xFFFFFFF0];
	v3 =	vmin.u32 v3, $0x8000;
	_ =	sdelay $0x4  }
0xd9: {  	[tilespmem:v3+s1+$0x0] =	vst.idx.msk $0xffff, v4  }
0xda: {  	v3 =	vld [tilespmem:s30+$0x0];
	_ =	sdelay $0x4  }
0xdb: {  	v3 =	vsub.s32 v3, v0  }
0xdc: {  	v4 =	vld [tilespmem:s29+$0x0];
	v3 =	vmin.u32 v3, $0x8000;
	_ =	sdelay $0x4  }
0xdd: {  	[tilespmem:v3+s1+$0x0] =	vst.idx.msk $0xffff, v4  }
0xde: {  	v3 =	vld [tilespmem:s30+$0x10];
	_ =	sdelay $0x4  }
0xdf: {  	v3 =	vsub.s32 v3, v0  }
0xe0: {  	v4 =	vld [tilespmem:s29+$0x10];
	v3 =	vmin.u32 v3, $0x8000;
	_ =	sdelay $0x4  }
0xe1: {  	[tilespmem:v3+s1+$0x0] =	vst.idx.msk $0xffff, v4  }
0xe2: {  	v3 =	vld [tilespmem:s30+$0x20];
	_ =	sdelay $0x4  }
0xe3: {  	v3 =	vsub.s32 v3, v0  }
0xe4: {  	v4 =	vld [tilespmem:s29+$0x20];
	v3 =	vmin.u32 v3, $0x8000;
	_ =	sdelay $0x4  }
0xe5: {  	[tilespmem:v3+s1+$0x0] =	vst.idx.msk $0xffff, v4  }
0xe6: {  	v3 =	vld [tilespmem:s30+$0x30];
	_ =	sdelay $0x4  }
0xe7: {  	v3 =	vsub.s32 v3, v0  }
0xe8: {  	v4 =	vld [tilespmem:s29+$0x30];
	v3 =	vmin.u32 v3, $0x8000;
	_ =	sdelay $0x4  }
0xe9: {  	[tilespmem:v3+s1+$0x0] =	vst.idx.msk $0xffff, v4  }
0xea: {  	v3 =	vld [tilespmem:s0+$0xD080];
	_ =	sdelay $0x4  }
0xeb: {  	v3 =	vsub.s32 v3, v0  }
0xec: {  	v4 =	vld [tilespmem:s0+$0xF800];
	v3 =	vmin.u32 v3, $0x8000;
	_ =	sdelay $0x4  }
0xed: {  	[tilespmem:v3+s1+$0x0] =	vst.idx.msk $0xffff, v4  }
0xee: {  	v3 =	vld [tilespmem:s30+$0x50];
	_ =	sdelay $0x4  }
0xef: {  	v3 =	vsub.s32 v3, v0  }
0xf0: {  	v4 =	vld [tilespmem:s29+$0x50];
	v3 =	vmin.u32 v3, $0x8000;
	_ =	sdelay $0x4  }
0xf1: {  	[tilespmem:v3+s1+$0x0] =	vst.idx.msk $0xffff, v4  }
0xf2: {  	v3 =	vld [tilespmem:s30+$0x60];
	_ =	sdelay $0x4  }
0xf3: {  	v3 =	vsub.s32 v3, v0  }
0xf4: {  	v4 =	vld [tilespmem:s29+$0x60];
	v3 =	vmin.u32 v3, $0x8000;
	_ =	sdelay $0x4  }
0xf5: {  	[tilespmem:v3+s1+$0x0] =	vst.idx.msk $0xffff, v4  }
0xf6: {  	v3 =	vld [tilespmem:s30+$0x70];
	_ =	sdelay $0x4  }
0xf7: {  	v3 =	vsub.s32 v3, v0  }
0xf8: {  	v4 =	vld [tilespmem:s29+$0x70];
	v3 =	vmin.u32 v3, $0x8000;
	_ =	sdelay $0x4  }
0xf9: {  	[tilespmem:v3+s1+$0x0] =	vst.idx.msk $0xffff, v4  }
0xfa: {  	v3 =	vld [tilespmem:s30+$0x80];
	_ =	sdelay $0x4  }
0xfb: {  	v3 =	vsub.s32 v3, v0  }
0xfc: {  	v4 =	vld [tilespmem:s29+$0x80];
	v3 =	vmin.u32 v3, $0x8000;
	_ =	sdelay $0x4  }
0xfd: {  	[tilespmem:v3+s1+$0x0] =	vst.idx.msk $0xffff, v4  }
0xfe: {  	v3 =	vld [tilespmem:s30+$0x90];
	_ =	sdelay $0x4  }
0xff: {  	v3 =	vsub.s32 v3, v0  }
0x100: {  	v4 =	vld [tilespmem:s29+$0x90];
	v3 =	vmin.u32 v3, $0x8000;
	_ =	sdelay $0x4  }
0x101: {  	[tilespmem:v3+s1+$0x0] =	vst.idx.msk $0xffff, v4  }
0x102: {  	v3 =	vld [tilespmem:s30+$0xA0];
	_ =	sdelay $0x4  }
0x103: {  	v3 =	vsub.s32 v3, v0  }
0x104: {  	v4 =	vld [tilespmem:s29+$0xA0];
	v3 =	vmin.u32 v3, $0x8000;
	_ =	sdelay $0x4  }
0x105: {  	[tilespmem:v3+s1+$0x0] =	vst.idx.msk $0xffff, v4  }
0x106: {  	v3 =	vld [tilespmem:s30+$0xB0];
	_ =	sdelay $0x4  }
0x107: {  	v3 =	vsub.s32 v3, v0  }
0x108: {  	v4 =	vld [tilespmem:s29+$0xB0];
	v3 =	vmin.u32 v3, $0x8000;
	_ =	sdelay $0x4  }
0x109: {  	[tilespmem:v3+s1+$0x0] =	vst.idx.msk $0xffff, v4  }
0x10a: {  	v3 =	vld [tilespmem:s0+$0xD100];
	_ =	sdelay $0x4  }
0x10b: {  	v3 =	vsub.s32 v3, v0  }
0x10c: {  	p1 =	sne.s32 s28, $0x2580;
	v4 =	vld [tilespmem:s0+$0xF880];
	v3 =	vmin.u32 v3, $0x8000  }
.Ltmp4:
0x10d: {  	_ = 	snop;
	(pc) =	sbr.rel @p1 .LBB2_7-.Ltmp4, $2  }
0x10e: {  	_ =	sdelay $0x2  }
0x10f: {  	s28 =	sadd.s32 $0x190, s28;
	s29 =	sadd.s32 $0x190, s29;
	s30 =	sadd.s32 $0x190, s30;
	[tilespmem:v3+s1+$0x0] =	vst.idx.msk $0xffff, v4  }
0x110: {  	s26 =	sadd.s32 $0x1, s26  }
0x111: {  	p1 =	sne.s32 s26, $0x19  }
.Ltmp5:
0x112: {  	_ = 	snop;
	(pc) =	sbr.rel @p1 .LBB2_4-.Ltmp5, $1  }
0x113: {  	_ =	sdelay $0x3  }
0x114: {  	v3 =	vimm.f32 $-9.999000000e+03  }
0x115: {  	[tilespmem:$0x11E80] =	vst v3  }
0x116: {  	[tilespmem:$0x11E90] =	vst v3  }
0x117: {  	[tilespmem:$0x11EA0] =	vst v3  }
0x118: {  	[tilespmem:$0x11EB0] =	vst v3  }
0x119: {  	[tilespmem:$0x11EC0] =	vst v3  }
0x11a: {  	[tilespmem:$0x11ED0] =	vst v3  }
0x11b: {  	[tilespmem:$0x11EE0] =	vst v3  }
0x11c: {  	[tilespmem:$0x11EF0] =	vst v3  }
0x11d: {  	[tilespmem:$0x11F00] =	vst v3  }
0x11e: {  	[tilespmem:$0x11F10] =	vst v3  }
0x11f: {  	[tilespmem:$0x11F20] =	vst v3  }
0x120: {  	[tilespmem:$0x11F30] =	vst v3  }
0x121: {  	[tilespmem:$0x11F40] =	vst v3  }
0x122: {  	[tilespmem:$0x11F50] =	vst v3  }
0x123: {  	[tilespmem:$0x11F60] =	vst v3  }
0x124: {  	[tilespmem:$0x11F70] =	vst v3  }
0x125: {  	[tilespmem:$0x11F80] =	vst v3  }
0x126: {  	[tilespmem:$0x11F90] =	vst v3  }
0x127: {  	[tilespmem:$0x11FA0] =	vst v3  }
0x128: {  	[tilespmem:$0x11FB0] =	vst v3  }
0x129: {  	[tilespmem:$0x11FC0] =	vst v3  }
0x12a: {  	[tilespmem:$0x11FD0] =	vst v3  }
0x12b: {  	[tilespmem:$0x11FE0] =	vst v3  }
0x12c: {  	[tilespmem:$0x11FF0] =	vst v3  }
0x12d: {  	[tilespmem:$0x12000] =	vst v3  }
0x12e: {  	[tilespmem:$0x12010] =	vst v3  }
0x12f: {  	[tilespmem:$0x12020] =	vst v3  }
0x130: {  	[tilespmem:$0x12030] =	vst v3  }
0x131: {  	[tilespmem:$0x12040] =	vst v3  }
0x132: {  	[tilespmem:$0x12050] =	vst v3  }
0x133: {  	[tilespmem:$0x12060] =	vst v3  }
0x134: {  	[tilespmem:$0x12070] =	vst v3  }
0x135: {  	[tilespmem:$0x12080] =	vst v3  }
0x136: {  	[tilespmem:$0x12090] =	vst v3  }
0x137: {  	[tilespmem:$0x120A0] =	vst v3  }
0x138: {  	[tilespmem:$0x120B0] =	vst v3  }
0x139: {  	[tilespmem:$0x120C0] =	vst v3  }
0x13a: {  	[tilespmem:$0x120D0] =	vst v3  }
0x13b: {  	[tilespmem:$0x120E0] =	vst v3  }
0x13c: {  	[tilespmem:$0x120F0] =	vst v3  }
0x13d: {  	[tilespmem:$0x12100] =	vst v3  }
0x13e: {  	[tilespmem:$0x12110] =	vst v3  }
0x13f: {  	[tilespmem:$0x12120] =	vst v3  }
0x140: {  	[tilespmem:$0x12130] =	vst v3  }
0x141: {  	[tilespmem:$0x12140] =	vst v3  }
0x142: {  	[tilespmem:$0x12150] =	vst v3  }
0x143: {  	[tilespmem:$0x12160] =	vst v3  }
0x144: {  	[tilespmem:$0x12170] =	vst v3  }
0x145: {  	[tilespmem:$0x12180] =	vst v3  }
0x146: {  	[tilespmem:$0x12190] =	vst v3  }
0x147: {  	[tilespmem:$0x121A0] =	vst v3  }
0x148: {  	[tilespmem:$0x121B0] =	vst v3  }
0x149: {  	[tilespmem:$0x121C0] =	vst v3  }
0x14a: {  	[tilespmem:$0x121D0] =	vst v3  }
0x14b: {  	[tilespmem:$0x121E0] =	vst v3  }
0x14c: {  	[tilespmem:$0x121F0] =	vst v3  }
0x14d: {  	[tilespmem:$0x12200] =	vst v3  }
0x14e: {  	[tilespmem:$0x12210] =	vst v3  }
0x14f: {  	[tilespmem:$0x12220] =	vst v3  }
0x150: {  	[tilespmem:$0x12230] =	vst v3  }
0x151: {  	[tilespmem:$0x12240] =	vst v3  }
0x152: {  	[tilespmem:$0x12250] =	vst v3  }
0x153: {  	[tilespmem:$0x12260] =	vst v3  }
0x154: {  	s25 =	simm.s32 $0x0;
	v4 =	vimm.f32 $-9.999000000e+03;
	v5 =	vimm.f32 $-9.999000000e+03;
	s26 =	simm.s32 $0x0;
	[tilespmem:$0x12270] =	vst v3  }
.LBB2_10:
0x155: {  	s0 =	sshll.u32 s26, $0xA  }
0x156: {  	s21 =	sand.u32 $0x380, s25;
	s30 =	sand.u32 $0x3FFFFC00, s0  }
0x157: {  	s29 =	simm.s32 $0x11EA0;
	s2 =	sand.u32 $0x40, s25;
	s0 =	sadd.s32 s21, s30  }
0x158: {  	v6 =	vld [tilespmem:s29+$0xFFFFFFE0];
	s2 =	sadd.s32 s2, s0  }
0x159: {  	v7 =	vld [tilespmem:s2+$0x0];
	_ =	sdelay $0x3  }
0x15a: {  	s21 =	simm.s32 $0x10  }
0x15b: {  	s2 =	sand.u32 $0x50, s21;
	v6 =	vmax.f32 v6, v7  }
0x15c: {  	s2 =	sadd.s32 s2, s0;
	[tilespmem:s29+$0xFFFFFFE0] =	vst v6;
	v6 =	vld [tilespmem:s29+$0xFFFFFFF0]  }
0x15d: {  	v8 =	vld [tilespmem:s2+$0x0];
	_ =	sdelay $0x3  }
0x15e: {  	s21 =	simm.s32 $0x20  }
0x15f: {  	s2 =	sand.u32 $0x60, s21;
	v6 =	vmax.f32 v6, v8  }
0x160: {  	s2 =	sadd.s32 s2, s0;
	[tilespmem:s29+$0xFFFFFFF0] =	vst v6;
	v6 =	vld [tilespmem:s29+$0x0]  }
0x161: {  	v9 =	vld [tilespmem:s2+$0x0];
	_ =	sdelay $0x4  }
0x162: {  	s21 =	simm.s32 $0x30;
	v6 =	vmax.f32 v6, v9  }
0x163: {  	s2 =	sand.u32 $0x70, s21;
	[tilespmem:s29+$0x0] =	vst v6;
	v6 =	vmax.f32 v3, v7  }
0x164: {  	s0 =	sadd.s32 s2, s0;
	v6 =	vmax.f32 v6, v8;
	v8 =	vld [tilespmem:s29+$0x10]  }
0x165: {  	v7 =	vld [tilespmem:s0+$0x0];
	_ =	sdelay $0x2  }
0x166: {  	s31 =	simm.s32 $0x40  }
0x167: {  	s28 =	simm.s32 $0x11EE0;
	s2 =	sand.u32 $0x380, s31;
	s0 =	simm.s32 $0x80;
	v6 =	vmax.f32 v6, v9  }
.LBB2_11:
0x168: {  	p1 =	sne.s32 s0, $0x3C0;
	s21 =	sand.u32 $0x40, s31;
	s2 =	sadd.s32 s2, s30;
	v8 =	vmax.f32 v8, v7;
	v6 =	vmax.f32 v6, v7  }
0x169: {  	s21 =	sadd.s32 s21, s2;
	v7 =	vld [tilespmem:s28+$0xFFFFFFE0];
	[tilespmem:s29+$0x10] =	vst v8;
	s29 =	smov.u32 s28  }
0x16a: {  	v8 =	vld [tilespmem:s21+$0x0];
	_ =	sdelay $0x3  }
0x16b: {  	s21 =	sadd.s32 $0x10, s31  }
0x16c: {  	s21 =	sand.u32 $0x50, s21;
	v7 =	vmax.f32 v7, v8;
	v6 =	vmax.f32 v6, v8  }
0x16d: {  	s21 =	sadd.s32 s21, s2;
	[tilespmem:s28+$0xFFFFFFE0] =	vst v7;
	v7 =	vld [tilespmem:s28+$0xFFFFFFF0]  }
0x16e: {  	v8 =	vld [tilespmem:s21+$0x0];
	_ =	sdelay $0x3  }
0x16f: {  	s21 =	sadd.s32 $0x20, s31  }
0x170: {  	s21 =	sand.u32 $0x60, s21;
	v7 =	vmax.f32 v7, v8;
	v6 =	vmax.f32 v6, v8  }
0x171: {  	s21 =	sadd.s32 s21, s2;
	[tilespmem:s28+$0xFFFFFFF0] =	vst v7;
	v7 =	vld [tilespmem:s28+$0x0]  }
0x172: {  	v8 =	vld [tilespmem:s21+$0x0];
	_ =	sdelay $0x3  }
0x173: {  	s21 =	sadd.s32 $0x30, s31;
	s31 =	smov.u32 s0  }
0x174: {  	s21 =	sand.u32 $0x70, s21;
	v7 =	vmax.f32 v7, v8;
	v6 =	vmax.f32 v6, v8  }
0x175: {  	s2 =	sadd.s32 s21, s2;
	[tilespmem:s28+$0x0] =	vst v7;
	v8 =	vld [tilespmem:s28+$0x10]  }
.Ltmp6:
0x176: {  	v7 =	vld [tilespmem:s2+$0x0];
	(pc) =	sbr.rel @p1 .LBB2_11-.Ltmp6, $2  }
0x177: {  	_ =	sdelay $0x2  }
0x178: {  	s0 =	sadd.s32 $0x40, s0;
	s28 =	sadd.s32 $0x40, s28;
	s2 =	sand.u32 $0x380, s31  }
0x179: {  	s0 =	sand.u32 $0x40, s31;
	s2 =	sadd.s32 s2, s30;
	v8 =	vmax.f32 v8, v7  }
0x17a: {  	v9 =	vld [tilespmem:s28+$0xFFFFFFE0];
	s0 =	sadd.s32 s0, s2;
	[tilespmem:s29+$0x10] =	vst v8  }
0x17b: {  	v8 =	vld [tilespmem:s0+$0x0];
	_ =	sdelay $0x3  }
0x17c: {  	s21 =	sadd.s32 $0x10, s31  }
0x17d: {  	s0 =	sand.u32 $0x50, s21;
	v9 =	vmax.f32 v9, v8  }
0x17e: {  	v60 =	vld [tilespmem:s28+$0xFFFFFFF0];
	s0 =	sadd.s32 s0, s2;
	[tilespmem:s28+$0xFFFFFFE0] =	vst v9  }
0x17f: {  	v10 =	vld [tilespmem:s0+$0x0];
	_ =	sdelay $0x3  }
0x180: {  	s29 =	sadd.s32 $0x20, s31  }
0x181: {  	s0 =	sand.u32 $0x60, s29;
	v9 =	vmax.f32 v60, v10  }
0x182: {  	v61 =	vld [tilespmem:s28+$0x0];
	s0 =	sadd.s32 s0, s2;
	[tilespmem:s28+$0xFFFFFFF0] =	vst v9  }
0x183: {  	v11 =	vld [tilespmem:s0+$0x0];
	_ =	sdelay $0x3  }
0x184: {  	s30 =	sadd.s32 $0x30, s31  }
0x185: {  	s0 =	sand.u32 $0x70, s30;
	v9 =	vmax.f32 v61, v11  }
0x186: {  	s0 =	sadd.s32 s0, s2;
	[tilespmem:s28+$0x0] =	vst v9  }
0x187: {  	v9 =	vld [tilespmem:s0+$0x0]  }
0x188: {  	v6 =	vmax.f32 v6, v7  }
0x189: {  	v6 =	vmax.f32 v6, v8  }
0x18a: {  	v6 =	vmax.f32 v6, v10  }
0x18b: {  	v6 =	vmax.f32 v6, v11  }
0x18c: {  	v6 =	vmax.f32 v6, v9  }
0x18d: {  	(xrf0) =	vmax.scan.msk.f32 $0xffff, v6;
	_ =	sdelay $0x2  }
0x18e: {  	v62 =	vmov s26;
	s31 =	sadd.s32 $0xFFFFFFF0, s26;
	s26 =	sadd.s32 $0x1, s26;
	v6 =	vld [tilespmem:s28+$0x10]  }
0x18f: {  	p1 =	sne.s32 s26, $0x20  }
.Ltmp7:
0x190: {  	_ = 	snop;
	(pc) =	sbr.rel @p1 .LBB2_10-.Ltmp7, $4  }
0x191: {  	v7, _, _ =	vpop (xrf0)  }
0x192: {  	v63 =	vmov s31;
	v7 =	vbroadcast v7, $0xF  }
0x193: {  	vm0 =	veq.s32 v62, v2;
	vm1 =	veq.s32 v63, v2;
	v6 =	vmax.f32 v6, v9  }
0x194: {  	[tilespmem:s28+$0x10] =	vst v6;
	v5 =	vsel vm0, v7, v5;
	v4 =	vsel vm1, v7, v4  }
0x195: {  	[tilespmem:$0x12280] =	vst v5  }
0x196: {  	[tilespmem:$0x12290] =	vst v4  }
0x197: {  	[hbm4b:s5+s1] =	stream.linear.scatter [tilespmem:s16], [sflag:$0x3], $0x20, $0x38;
	[tilespmem:$0x14B80] =	vst v63  }
0x198: {  	_ =	swait.ge [sflag:s17], $0x20  }
0x199: {  	[sflag:s17] =	ssyncset.done $0x0  }
0x19a: {  	[sflag:s17] =	ssyncadd.s32 $0xFFFFFFE0  }
0x19b: {  	[spmem:s6] =	stream.strided.scatter [tilespmem:s20], [sflag:$0x3], $0x400, s19, s18, $0x38;
	[tilespmem:$0x14B80] =	vst v63  }
.Ltmp8:
0x19c: {  	_ =	swait.ge [sflag:s17], $0x400;
	(pc) =	sbr.rel @p0 .LBB2_17-.Ltmp8, $3  }
0x19d: {  	[sflag:s17] =	ssyncset.done $0x0  }
0x19e: {  	[sflag:s17] =	ssyncadd.s32 $0xFFFFFC00  }
0x19f: {  	[bflag:$0x0] =	sbarrier.arrive $0xFFFF;
	_ =	sdelay $0x1  }
0x1a0: {  	s0 =	simm.s32 $0x2000  }
0x1a1: {  	[tilespmem:s22], [sflag:$0x3] =	stream.strided.gather [spmem:s7], $0x800, s0, s18, $0x38;
	[tilespmem:$0x14B80] =	vst v63  }
0x1a2: {  	_ =	swait.ge [sflag:s17], $0x800  }
0x1a3: {  	[sflag:s17] =	ssyncset.done $0x0  }
0x1a4: {  	s25 =	simm.s32 $0x0;
	[sflag:s17] =	ssyncadd.s32 $0xFFFFF800  }
0x1a5: {  	v3 =	vld [tilespmem:s25+$0x12300]  }
0x1a6: {  	v4 =	vld [tilespmem:s25+$0x12380]  }
0x1a7: {  	v5 =	vld [tilespmem:s25+$0x12400]  }
0x1a8: {  	v6 =	vld [tilespmem:s25+$0x12480]  }
0x1a9: {  	v7 =	vld [tilespmem:s25+$0x12500]  }
0x1aa: {  	v8 =	vld [tilespmem:s25+$0x12580]  }
0x1ab: {  	v3 =	vmax.f32 v3, v4;
	v4 =	vld [tilespmem:s25+$0x12600]  }
0x1ac: {  	v3 =	vmax.f32 v3, v5;
	v5 =	vld [tilespmem:s25+$0x12680]  }
0x1ad: {  	v3 =	vmax.f32 v3, v6;
	v6 =	vld [tilespmem:s25+$0x12700]  }
0x1ae: {  	v3 =	vmax.f32 v3, v7;
	v7 =	vld [tilespmem:s25+$0x12780]  }
0x1af: {  	v3 =	vmax.f32 v3, v8;
	v8 =	vld [tilespmem:s25+$0x12800]  }
0x1b0: {  	v9 =	vld [tilespmem:s25+$0x12880];
	v3 =	vmax.f32 v3, v4  }
0x1b1: {  	v4 =	vld [tilespmem:s25+$0x12900];
	v3 =	vmax.f32 v3, v5  }
0x1b2: {  	v5 =	vld [tilespmem:s25+$0x12980];
	v3 =	vmax.f32 v3, v6  }
0x1b3: {  	v6 =	vld [tilespmem:s25+$0x12A00];
	v3 =	vmax.f32 v3, v7  }
0x1b4: {  	s0 =	simm.s32 $0x10;
	v7 =	vld [tilespmem:s25+$0x12A80];
	v8 =	vmax.f32 v3, v8  }
0x1b5: {  	s26 =	simm.s32 $0x80;
	v3 =	vld [tilespmem:s0+$0x12300];
	v8 =	vmax.f32 v8, v9  }
.LBB2_15:
0x1b6: {  	p1 =	sne.s32 s26, $0x1C0;
	v9 =	vld [tilespmem:s0+$0x12380];
	v4 =	vmax.f32 v8, v4  }
0x1b7: {  	v8 =	vld [tilespmem:s0+$0x12400];
	v4 =	vmax.f32 v4, v5  }
0x1b8: {  	v5 =	vld [tilespmem:s0+$0x12480];
	v4 =	vmax.f32 v4, v6  }
0x1b9: {  	v6 =	vld [tilespmem:s0+$0x12500];
	v4 =	vmax.f32 v4, v7  }
0x1ba: {  	v7 =	vld [tilespmem:s0+$0x12580];
	[tilespmem:s25+$0x12B00] =	vst v4;
	s25 =	smov.u32 s0  }
0x1bb: {  	v3 =	vmax.f32 v3, v9;
	v4 =	vld [tilespmem:s25+$0x12600]  }
0x1bc: {  	v3 =	vmax.f32 v3, v8;
	v8 =	vld [tilespmem:s25+$0x12680]  }
0x1bd: {  	v3 =	vmax.f32 v3, v5;
	v5 =	vld [tilespmem:s25+$0x12700]  }
0x1be: {  	v3 =	vmax.f32 v3, v6;
	v6 =	vld [tilespmem:s25+$0x12780]  }
0x1bf: {  	v3 =	vmax.f32 v3, v7;
	v7 =	vld [tilespmem:s25+$0x12800]  }
0x1c0: {  	v3 =	vmax.f32 v3, v4;
	v9 =	vld [tilespmem:s25+$0x12880]  }
.Ltmp9:
0x1c1: {  	v3 =	vmax.f32 v3, v8;
	v4 =	vld [tilespmem:s25+$0x12900];
	(pc) =	sbr.rel @p1 .LBB2_15-.Ltmp9, $4  }
0x1c2: {  	v3 =	vmax.f32 v3, v5;
	v5 =	vld [tilespmem:s25+$0x12980]  }
0x1c3: {  	v3 =	vmax.f32 v3, v6;
	v6 =	vld [tilespmem:s25+$0x12A00]  }
0x1c4: {  	s0 =	sshra.s32 s26, $0x2;
	v8 =	vmax.f32 v3, v7;
	v7 =	vld [tilespmem:s25+$0x12A80]  }
0x1c5: {  	s26 =	sadd.s32 $0x40, s26;
	v3 =	vld [tilespmem:s0+$0x12300];
	v8 =	vmax.f32 v8, v9  }
0x1c6: {  	v9 =	vld [tilespmem:s0+$0x12380];
	v4 =	vmax.f32 v8, v4  }
0x1c7: {  	v51 =	vld [tilespmem:s0+$0x12400];
	v4 =	vmax.f32 v4, v5  }
0x1c8: {  	v52 =	vld [tilespmem:s0+$0x12480];
	v4 =	vmax.f32 v4, v6  }
0x1c9: {  	v53 =	vld [tilespmem:s0+$0x12500];
	v4 =	vmax.f32 v4, v7  }
0x1ca: {  	v54 =	vld [tilespmem:s0+$0x12580];
	[tilespmem:s25+$0x12B00] =	vst v4  }
0x1cb: {  	v3 =	vmax.f32 v3, v9;
	v4 =	vld [tilespmem:s0+$0x12600]  }
0x1cc: {  	v55 =	vld [tilespmem:s0+$0x12680];
	v3 =	vmax.f32 v3, v51  }
0x1cd: {  	v56 =	vld [tilespmem:s0+$0x12700];
	v3 =	vmax.f32 v3, v52  }
0x1ce: {  	v57 =	vld [tilespmem:s0+$0x12780];
	v3 =	vmax.f32 v3, v53  }
0x1cf: {  	v58 =	vld [tilespmem:s0+$0x12800];
	v3 =	vmax.f32 v3, v54  }
0x1d0: {  	v59 =	vld [tilespmem:s0+$0x12880];
	v3 =	vmax.f32 v3, v4  }
0x1d1: {  	v60 =	vld [tilespmem:s0+$0x12900];
	v3 =	vmax.f32 v3, v55  }
0x1d2: {  	v61 =	vld [tilespmem:s0+$0x12980];
	v3 =	vmax.f32 v3, v56  }
0x1d3: {  	v62 =	vld [tilespmem:s0+$0x12A00];
	v3 =	vmax.f32 v3, v57  }
0x1d4: {  	v63 =	vld [tilespmem:s0+$0x12A80];
	v3 =	vmax.f32 v3, v58  }
0x1d5: {  	v3 =	vmax.f32 v3, v59  }
0x1d6: {  	v3 =	vmax.f32 v3, v60  }
0x1d7: {  	v3 =	vmax.f32 v3, v61  }
0x1d8: {  	v3 =	vmax.f32 v3, v62  }
0x1d9: {  	v3 =	vmax.f32 v3, v63  }
.Ltmp10:
0x1da: {  	[tilespmem:s0+$0x12B00] =	vst v3;
	(pc) =	sbr.rel .LBB2_17-.Ltmp10, $4  }
0x1db: {  	[hbm4b:s8+s1] =	stream.linear.scatter [tilespmem:s23], [sflag:$0x3], $0x80, $0x38;
	[tilespmem:$0x14B80] =	vst v63  }
0x1dc: {  	_ =	swait.ge [sflag:s17], $0x80  }
0x1dd: {  	[sflag:s17] =	ssyncset.done $0x0  }
0x1de: {  	[sflag:s17] =	ssyncadd.s32 $0xFFFFFF80  }
.LBB2_18:
0x1df: {  	_ =	sfence.sel $0x180000  }
0x1e0: {  	[bflag:$0x0] =	sbarrier.arrive $0xFFFF  }
0x1e1: {  	_ =	strace $0x90000047  }
0x1e2: {  	s0 =	stileid.u32;
	[bflag:$0x2] =	sbarrier.arrive $0xFFFF  }
0x1e3: {  	p0 =	sne.s32 s0, $0x0;
	s0 =	rddreg [dreg:$0x3]  }
0x1e4: {  	s0 =	sadd.s32 @!p0 $0x100000, s0  }
0x1e5: {  	[sflag:s0] =	ssyncadd.tile.s32 @!p0 $0x1;
	_ =	shalt  }
.Lfunc_end2:
_tile_overlayer_lowered:
.L_overlay_start_2:
0x1e6: {  	(tag) =	ssettag $0x2  }
0x1e7: {  	s0 =	rddreg [dreg:$0x0];
	s2 =	stileid.u32  }
0x1e8: {  	s1 =	rddreg [dreg:$0x1];
	p0 =	sne.s32 s2, $0x0  }
0x1e9: {  	s3 =	rddreg [dreg:$0x2];
	[bflag:$0x3] =	sbarrier.arrive $0xFFFF;
	s2 =	simm.s32 @!p0 $0x1C03  }
0x1ea: {  	[timem:s3], [sflag:s2] =	dma.local @!p0 [hbm:s0], s1  }
0x1eb: {  	s0 =	simm.s32 @!p0 $0x3  }
0x1ec: {  	_ =	swait.ge @!p0 [sflag:s0], s1  }
0x1ed: {  	s1 =	ssub.s32 @!p0 $0x0, s1;
	[sflag:s0] =	ssyncset.done @!p0 $0x0  }
0x1ee: {  	[sflag:s0] =	ssyncadd.s32 @!p0 s1  }
0x1ef: {  	[bflag:$0x3] =	sbarrier.arrive $0xFFFF  }
0x1f0: {  	_ =	shalt  }

</sc_bundles>
